<compile_context>
chip_gen: v7x
topology: tpu7x:2x2x1
jax: 0.10.2.dev20260603
libtpu: 0.0.44.dev20260713+nightly
codegen_flags: <defaults>
</compile_context>

<pallas_src>
import functools

import jax
import jax.numpy as jnp
from jax import lax
from jax.experimental import pallas as pl
from jax.experimental.pallas import tpu as pltpu
from jax.experimental.pallas import tpu_sc as plsc

N_TILES = 32
N_SUB = 16
K = 128
LANES = 16
NBUF = 2


def _mesh():
    return plsc.VectorSubcoreMesh(core_axis_name="c", subcore_axis_name="s")


def _sc_params():
    return pltpu.CompilerParams(needs_layout_passes=False)


def _make_deg_kernel(npad, ch):
    sl = npad // N_SUB
    assert ch % 8 == 0

    @functools.partial(
        pl.kernel,
        out_type=jax.ShapeDtypeStruct((2, npad), jnp.float32),
        mesh=_mesh(),
        compiler_params=_sc_params(),
        scratch_types=[
            pltpu.VMEM_SHARED((npad,), jnp.float32),
            pltpu.VMEM((ch, K), jnp.int32),
            pltpu.VMEM((K,), jnp.float32),
            pltpu.SemaphoreType.DMA,
        ],
    )
    def deg_kernel(dst_hbm, zvec_hbm, out_hbm, deg_sp, dst_v, ones_v, sem):
        c = lax.axis_index("c")
        s = lax.axis_index("s")
        w = c * N_SUB + s
        pltpu.sync_copy(zvec_hbm.at[pl.ds(s * sl, sl)], deg_sp.at[pl.ds(s * sl, sl)])
        pltpu.sync_copy(dst_hbm.at[w], dst_v)
        for k in range(K // LANES):
            ones_v[pl.ds(k * LANES, LANES)] = jnp.full((LANES,), 1.0, jnp.float32)
        plsc.subcore_barrier()

        def body(i0, carry):
            descs = []
            for b in range(8):
                i = i0 * 8 + b
                descs.append(
                    pltpu.async_copy(ones_v, deg_sp.at[dst_v.at[i]], sem, add=True))
            for d in descs:
                d.wait()
            return carry

        lax.fori_loop(0, ch // 8, body, 0)
        plsc.subcore_barrier()
        pltpu.sync_copy(deg_sp.at[pl.ds(s * sl, sl)], out_hbm.at[c, pl.ds(s * sl, sl)])

    return deg_kernel


def _make_row_scatter_kernel(npad, dh, ch):
    sl = npad // N_SUB

    @functools.partial(
        pl.kernel,
        out_type=jax.ShapeDtypeStruct((2, npad, dh), jnp.float32),
        mesh=_mesh(),
        compiler_params=_sc_params(),
        scratch_types=[
            pltpu.VMEM_SHARED((npad, dh), jnp.float32),
            pltpu.VMEM((ch, K), jnp.int32),
            pltpu.VMEM((ch, K), jnp.int32),
            pltpu.VMEM((K, dh), jnp.float32),
            pltpu.SemaphoreType.DMA,
        ],
    )
    def scat_kernel(g_hbm, src_hbm, dst_hbm, zrows_hbm, out_hbm,
                    acc_sp, src_v, dst_v, rows_a, sem_a):
        c = lax.axis_index("c")
        s = lax.axis_index("s")
        w = c * N_SUB + s
        pltpu.sync_copy(zrows_hbm.at[pl.ds(s * sl, sl)], acc_sp.at[pl.ds(s * sl, sl)])
        pltpu.sync_copy(src_hbm.at[w], src_v)
        pltpu.sync_copy(dst_hbm.at[w], dst_v)
        plsc.subcore_barrier()

        def body2(i, carry):
            pltpu.async_copy(g_hbm.at[src_v.at[i]], rows_a, sem_a).wait()
            pltpu.sync_copy(rows_a, acc_sp.at[dst_v.at[i]], add=True)
            return carry

        lax.fori_loop(0, ch, body2, 0)
        plsc.subcore_barrier()
        pltpu.sync_copy(acc_sp.at[pl.ds(s * sl, sl)], out_hbm.at[c, pl.ds(s * sl, sl)])

    return scat_kernel


def _make_scalar_kernel(npad, ch):
    sl = npad // N_SUB
    assert ch % 2 == 0

    @functools.partial(
        pl.kernel,
        out_type=jax.ShapeDtypeStruct((2, npad), jnp.float32),
        mesh=_mesh(),
        compiler_params=_sc_params(),
        scratch_types=[
            pltpu.VMEM_SHARED((npad,), jnp.float32),
            pltpu.VMEM((ch, K), jnp.int32),
            pltpu.VMEM((ch, K), jnp.int32),
            pltpu.VMEM((npad // 128, 128), jnp.float32),
            pltpu.VMEM((K,), jnp.float32),
            pltpu.VMEM((K,), jnp.float32),
            pltpu.SemaphoreType.DMA,
            pltpu.SemaphoreType.DMA,
        ],
    )
    def l2agg_kernel(z_hbm, src_hbm, dst_hbm, zvec_hbm, out_hbm,
                     acc_sp, src_v, dst_v, z_v, upd_a, upd_b, sem_a, sem_b):
        c = lax.axis_index("c")
        s = lax.axis_index("s")
        pltpu.sync_copy(zvec_hbm.at[pl.ds(s * sl, sl)], acc_sp.at[pl.ds(s * sl, sl)])
        pltpu.sync_copy(src_hbm.at[c, s], src_v)
        pltpu.sync_copy(dst_hbm.at[c, s], dst_v)
        pltpu.sync_copy(z_hbm, z_v)
        plsc.subcore_barrier()

        def gather_chunk(i, upd_v):
            for k in range(K // LANES):
                s16 = src_v[i, pl.ds(k * LANES, LANES)]
                r16 = lax.shift_right_logical(s16, 7)
                c16 = lax.bitwise_and(s16, 127)
                upd_v[pl.ds(k * LANES, LANES)] = plsc.load_gather(z_v, [r16, c16])

        def body(i0, carry):
            i = i0 * 2
            gather_chunk(i, upd_a)
            da = pltpu.async_copy(upd_a, acc_sp.at[dst_v.at[i]], sem_a, add=True)
            gather_chunk(i + 1, upd_b)
            db = pltpu.async_copy(upd_b, acc_sp.at[dst_v.at[i + 1]], sem_b, add=True)
            da.wait()
            db.wait()
            return carry

        lax.fori_loop(0, ch // 2, body, 0)
        plsc.subcore_barrier()
        pltpu.sync_copy(acc_sp.at[pl.ds(s * sl, sl)], out_hbm.at[c, pl.ds(s * sl, sl)])

    return l2agg_kernel


def _g_body(x_ref, w1_ref, degt_ref, g_ref, dinv_ref):
    d = lax.rsqrt(degt_ref[:, 0:1] + degt_ref[:, 1:2] + 1.0)
    h = jnp.dot(x_ref[...], w1_ref[...], preferred_element_type=jnp.float32)
    g_ref[...] = d * h
    dinv_ref[...] = d


def _l6_body(p_ref, dinv_ref, z_ref, b2_ref, out_ref):
    a = p_ref[:, 0:1] + p_ref[:, 1:2]
    out_ref[...] = b2_ref[...] + dinv_ref[...] * (a + z_ref[...])


def _l4_body(acc_ref, g_ref, dinv_ref, w2_ref, b1_ref, z_ref):
    d = dinv_ref[...]
    h1 = jnp.maximum(d * (acc_ref[0] + acc_ref[1] + g_ref[...]) + b1_ref[...], 0.0)
    z_ref[...] = d * jnp.dot(h1, w2_ref[...], preferred_element_type=jnp.float32)


def kernel(x, edge_index, W1, b1, W2, b2):
    n, d_in = x.shape
    d_hid = W1.shape[1]
    dh = d_hid // 2
    ei = edge_index.astype(jnp.int32)
    src, dst = ei[0], ei[1]
    e = src.shape[0]

    npad = ((n + 16 * 40 - 1) // (16 * 40)) * (16 * 40)
    ch = ((e + N_TILES * K - 1) // (N_TILES * K) + 7) // 8 * 8
    e_pad = N_TILES * ch * K
    n_extra = e_pad - e
    pad_idx = jnp.arange(n_extra, dtype=jnp.int32)
    src_p = jnp.concatenate([src, pad_idx % n])
    dst_p = jnp.concatenate([dst, n + pad_idx % (npad - n)])
    src32 = src_p.reshape(N_TILES, ch, K)
    dst32 = dst_p.reshape(N_TILES, ch, K)
    ch5 = e_pad // (N_SUB * K)

    zvec = jnp.zeros((npad,), jnp.float32)
    zrows = jnp.zeros((npad, d_hid), jnp.float32)
    x_pad = jnp.pad(x, ((0, npad - n), (0, 0)))

    deg = _make_deg_kernel(npad, ch)(dst32, zvec)

    rb = 512
    grid = (npad // rb,)
    g, dinv2d = pl.pallas_call(
        _g_body,
        grid=grid,
        in_specs=[
            pl.BlockSpec((rb, d_in), lambda i: (i, 0)),
            pl.BlockSpec((d_in, d_hid), lambda i: (0, 0)),
            pl.BlockSpec((rb, 2), lambda i: (i, 0)),
        ],
        out_specs=[
            pl.BlockSpec((rb, d_hid), lambda i: (i, 0)),
            pl.BlockSpec((rb, 1), lambda i: (i, 0)),
        ],
        out_shape=[
            jax.ShapeDtypeStruct((npad, d_hid), jnp.float32),
            jax.ShapeDtypeStruct((npad, 1), jnp.float32),
        ],
    )(x_pad, W1, deg.T)

    acc = _make_row_scatter_kernel(npad, d_hid, ch)(g, src32, dst32, zrows)

    rb4 = rb
    z2d = pl.pallas_call(
        _l4_body,
        grid=grid,
        in_specs=[
            pl.BlockSpec((2, rb4, d_hid), lambda i: (0, i, 0)),
            pl.BlockSpec((rb4, d_hid), lambda i: (i, 0)),
            pl.BlockSpec((rb4, 1), lambda i: (i, 0)),
            pl.BlockSpec((d_hid, 1), lambda i: (0, 0)),
            pl.BlockSpec((1, d_hid), lambda i: (0, 0)),
        ],
        out_specs=pl.BlockSpec((rb4, 1), lambda i: (i, 0)),
        out_shape=jax.ShapeDtypeStruct((npad, 1), jnp.float32),
    )(acc, g, dinv2d, W2, b1.reshape(1, d_hid))

    src45 = src_p.reshape(2, N_SUB, ch5 // 2, K)
    dst45 = dst_p.reshape(2, N_SUB, ch5 // 2, K)
    out5 = _make_scalar_kernel(npad, ch5 // 2)(
        z2d.reshape(npad // 128, 128), src45, dst45, zvec)

    out2d = pl.pallas_call(
        _l6_body,
        grid=grid,
        in_specs=[
            pl.BlockSpec((rb, 2), lambda i: (i, 0)),
            pl.BlockSpec((rb, 1), lambda i: (i, 0)),
            pl.BlockSpec((rb, 1), lambda i: (i, 0)),
            pl.BlockSpec((1, 1), lambda i: (0, 0)),
        ],
        out_specs=pl.BlockSpec((rb, 1), lambda i: (i, 0)),
        out_shape=jax.ShapeDtypeStruct((npad, 1), jnp.float32),
    )(out5.T, dinv2d, z2d, b2.reshape(1, 1).astype(jnp.float32))

    return out2d.reshape(npad)[:n]

# --- scband reference (transcript-rebuilt; emitter-appended) ---
"""Pipeline reference for scband-gcn-30717606101013 (READ-ONLY COPY).

The authoritative reference and input builder live on the scoring server;
editing this copy changes nothing except your own understanding.
"""

import jax, jax.numpy as jnp
import numpy as np

N_NODES = 10000
IN_CH = 128
HID_CH = 128


def setup_inputs(seed: int = 0) -> dict:
    key = jax.random.key(seed)
    k1, k2, k3, k4, k5, k6 = jax.random.split(key, 6)
    x = jax.random.normal(k1, (N_NODES, IN_CH), dtype=jnp.float32)
    edge_index = jax.random.randint(k2, (2, 320000), 0, N_NODES, dtype=jnp.int64)
    # GCNConv weights (glorot-ish scaling)
    W1 = jax.random.normal(k3, (IN_CH, HID_CH), dtype=jnp.float32) * (1.0 / np.sqrt(IN_CH))
    b1 = jnp.zeros((HID_CH,), dtype=jnp.float32)
    W2 = jax.random.normal(k4, (HID_CH, 1), dtype=jnp.float32) * (1.0 / np.sqrt(HID_CH))
    b2 = jnp.zeros((1,), dtype=jnp.float32)
    return {"x": x, "edge_index": edge_index, "W1": W1, "b1": b1, "W2": W2, "b2": b2}


def _gcn_conv(x, edge_index, W, b, num_nodes):
    # Faithful PyG GCNConv: linear transform, add self-loops, sym-normalize, scatter-add, bias.
    src = edge_index[0]
    dst = edge_index[1]
    loop = jnp.arange(num_nodes, dtype=src.dtype)
    src = jnp.concatenate([src, loop])
    dst = jnp.concatenate([dst, loop])
    h = x @ W
    ones = jnp.ones_like(dst, dtype=h.dtype)
    deg = jax.ops.segment_sum(ones, dst, num_segments=num_nodes)
    deg_inv_sqrt = jnp.where(deg > 0, 1.0 / jnp.sqrt(deg), 0.0)
    norm = deg_inv_sqrt[src] * deg_inv_sqrt[dst]
    msg = h[src] * norm[:, None]
    out = jax.ops.segment_sum(msg, dst, num_segments=num_nodes)
    return out + b


def reference(x, edge_index, W1, b1, W2, b2):
    num_nodes = x.shape[0]
    h = _gcn_conv(x, edge_index, W1, b1, num_nodes)
    h = jax.nn.relu(h)
    # F.dropout with training=False (eval mode) is identity
    out = _gcn_conv(h, edge_index, W2, b2, num_nodes)
    return out.reshape(-1)

if __name__ == "__main__":
    import jax
    _d = setup_inputs()
    print(jax.jit(kernel)(*tuple(_d.values())))

</pallas_src>

<mosaic_0001>
#map = affine_map<(d0, d1) -> (0, 0, 0)>
#map1 = affine_map<(d0, d1) -> (0)>
#map2 = affine_map<(d0, d1) -> (0, 0)>
module attributes {stable_mosaic.version = 14 : i64} {
  func.func @deg_kernel(%arg0: i32, %arg1: i32, %arg2: memref<32x80x128xi32, #tpu.memory_space<hbm>>, %arg3: memref<10240xf32, #tpu.memory_space<hbm>>, %arg4: memref<2x10240xf32, #tpu.memory_space<hbm>>, %arg5: memref<10240xf32, #tpu.memory_space<vmem_shared>>, %arg6: memref<80x128xi32, #tpu.memory_space<vmem>>, %arg7: memref<128xf32, #tpu.memory_space<vmem>>, %arg8: memref<!tpu.dma_semaphore, #tpu.memory_space<semaphore_mem>>) attributes {dimension_semantics = [#tpu.dimension_semantics<core_parallel>, #tpu.dimension_semantics<subcore_parallel>], iteration_bounds = array<i64: 2, 16>, scalar_prefetch = 0 : i64, scratch_operands = 4 : i64, tpu.core_type = #tpu.core_type<sc_vector_subcore>, window_params = [{transform_indices = #map}, {transform_indices = #map1}, {transform_indices = #map2}]} {
    %mul3A = arith.constant 16 : i32
    %mul3A_0 = arith.muli %arg0, %mul3A : i32
    %add3A = arith.addi %mul3A_0, %arg1 : i32
    %mul3A_1 = arith.constant 640 : i32
    %mul3A_2 = arith.muli %arg1, %mul3A_1 : i32
    %mul3A_3 = arith.constant 640 : i32
    %mul3A_4 = arith.muli %arg1, %mul3A_3 : i32
    "tpu.region"() ({
      %run_scoped3A = tpu.sem_alloc : memref<!tpu.dma_semaphore, #tpu.memory_space<semaphore_mem>>
      %dma_start3A = tpu.memref_slice %arg5[%mul3A_4] : memref<10240xf32, #tpu.memory_space<vmem_shared>> -> memref<640xf32, #tpu.memory_space<vmem_shared>>
      %dma_start3A_45 = tpu.memref_slice %arg3[%mul3A_2] : memref<10240xf32, #tpu.memory_space<hbm>> -> memref<640xf32, #tpu.memory_space<hbm>>
      tpu.enqueue_dma source(%dma_start3A_45 : memref<640xf32, #tpu.memory_space<hbm>>) target(%dma_start3A : memref<640xf32, #tpu.memory_space<vmem_shared>>) target_semaphore(%run_scoped3A : memref<!tpu.dma_semaphore, #tpu.memory_space<semaphore_mem>>)
      %dma_wait3A = tpu.memref_slice %arg5[%mul3A_4] : memref<10240xf32, #tpu.memory_space<vmem_shared>> -> memref<640xf32, #tpu.memory_space<vmem_shared>>
      %dma_wait3A_46 = tpu.memref_slice %arg3[%mul3A_2] : memref<10240xf32, #tpu.memory_space<hbm>> -> memref<640xf32, #tpu.memory_space<hbm>>
      tpu.wait_dma2 semaphore(%run_scoped3A : memref<!tpu.dma_semaphore, #tpu.memory_space<semaphore_mem>>) src(%dma_wait3A_46 : memref<640xf32, #tpu.memory_space<hbm>>) dst(%dma_wait3A : memref<640xf32, #tpu.memory_space<vmem_shared>>)
      tpu.yield
    }) : () -> ()
    "tpu.region"() ({
      %run_scoped3A = tpu.sem_alloc : memref<!tpu.dma_semaphore, #tpu.memory_space<semaphore_mem>>
      %dma_start3A = arith.constant 0 : i32
      %dma_start3A_45 = arith.constant 0 : i32
      %dma_start3A_46 = tpu.memref_slice %arg2[%add3A, %dma_start3A, %dma_start3A_45] : memref<32x80x128xi32, #tpu.memory_space<hbm>> -> memref<1x80x128xi32, #tpu.memory_space<hbm>>
      %dma_start3A_47 = tpu.memref_squeeze %dma_start3A_46 : memref<1x80x128xi32, #tpu.memory_space<hbm>> -> memref<80x128xi32, #tpu.memory_space<hbm>>
      %dma_start3A_48 = arith.constant 0 : i32
      %dma_start3A_49 = arith.constant 0 : i32
      %dma_start3A_50 = tpu.memref_slice %arg2[%add3A, %dma_start3A_48, %dma_start3A_49] : memref<32x80x128xi32, #tpu.memory_space<hbm>> -> memref<1x80x128xi32, #tpu.memory_space<hbm>>
      %dma_start3A_51 = tpu.memref_squeeze %dma_start3A_50 : memref<1x80x128xi32, #tpu.memory_space<hbm>> -> memref<80x128xi32, #tpu.memory_space<hbm>>
      tpu.enqueue_dma source(%dma_start3A_51 : memref<80x128xi32, #tpu.memory_space<hbm>>) target(%arg6 : memref<80x128xi32, #tpu.memory_space<vmem>>) target_semaphore(%run_scoped3A : memref<!tpu.dma_semaphore, #tpu.memory_space<semaphore_mem>>)
      %dma_wait3A = arith.constant 0 : i32
      %dma_wait3A_52 = arith.constant 0 : i32
      %dma_wait3A_53 = tpu.memref_slice %arg2[%add3A, %dma_wait3A, %dma_wait3A_52] : memref<32x80x128xi32, #tpu.memory_space<hbm>> -> memref<1x80x128xi32, #tpu.memory_space<hbm>>
      %dma_wait3A_54 = tpu.memref_squeeze %dma_wait3A_53 : memref<1x80x128xi32, #tpu.memory_space<hbm>> -> memref<80x128xi32, #tpu.memory_space<hbm>>
      %dma_wait3A_55 = arith.constant 0 : i32
      %dma_wait3A_56 = arith.constant 0 : i32
      %dma_wait3A_57 = tpu.memref_slice %arg2[%add3A, %dma_wait3A_55, %dma_wait3A_56] : memref<32x80x128xi32, #tpu.memory_space<hbm>> -> memref<1x80x128xi32, #tpu.memory_space<hbm>>
      %dma_wait3A_58 = tpu.memref_squeeze %dma_wait3A_57 : memref<1x80x128xi32, #tpu.memory_space<hbm>> -> memref<80x128xi32, #tpu.memory_space<hbm>>
      tpu.wait_dma2 semaphore(%run_scoped3A : memref<!tpu.dma_semaphore, #tpu.memory_space<semaphore_mem>>) src(%dma_wait3A_58 : memref<80x128xi32, #tpu.memory_space<hbm>>) dst(%arg6 : memref<80x128xi32, #tpu.memory_space<vmem>>)
      tpu.yield
    }) : () -> ()
    %broadcast_in_dim3A = arith.constant 1.000000e+00 : f32
    %broadcast_in_dim3A_5 = vector.broadcast %broadcast_in_dim3A : f32 to vector<16xf32>
    %swap3A = arith.constant 0 : index
    %swap3A_6 = tpu.vector_load %arg7[%swap3A] {strides = array<i32>} : memref<128xf32, #tpu.memory_space<vmem>>, vector<16xf32>,
    tpu.vector_store %arg7[%swap3A], %broadcast_in_dim3A_5 {strides = array<i32>} : memref<128xf32, #tpu.memory_space<vmem>>, vector<16xf32>,
    %broadcast_in_dim3A_7 = arith.constant 1.000000e+00 : f32
    %broadcast_in_dim3A_8 = vector.broadcast %broadcast_in_dim3A_7 : f32 to vector<16xf32>
    %swap3A_9 = arith.constant 16 : index
    %swap3A_10 = tpu.vector_load %arg7[%swap3A_9] {strides = array<i32>} : memref<128xf32, #tpu.memory_space<vmem>>, vector<16xf32>,
    tpu.vector_store %arg7[%swap3A_9], %broadcast_in_dim3A_8 {strides = array<i32>} : memref<128xf32, #tpu.memory_space<vmem>>, vector<16xf32>,
    %broadcast_in_dim3A_11 = arith.constant 1.000000e+00 : f32
    %broadcast_in_dim3A_12 = vector.broadcast %broadcast_in_dim3A_11 : f32 to vector<16xf32>
    %swap3A_13 = arith.constant 32 : index
    %swap3A_14 = tpu.vector_load %arg7[%swap3A_13] {strides = array<i32>} : memref<128xf32, #tpu.memory_space<vmem>>, vector<16xf32>,
    tpu.vector_store %arg7[%swap3A_13], %broadcast_in_dim3A_12 {strides = array<i32>} : memref<128xf32, #tpu.memory_space<vmem>>, vector<16xf32>,
    %broadcast_in_dim3A_15 = arith.constant 1.000000e+00 : f32
    %broadcast_in_dim3A_16 = vector.broadcast %broadcast_in_dim3A_15 : f32 to vector<16xf32>
    %swap3A_17 = arith.constant 48 : index
    %swap3A_18 = tpu.vector_load %arg7[%swap3A_17] {strides = array<i32>} : memref<128xf32, #tpu.memory_space<vmem>>, vector<16xf32>,
    tpu.vector_store %arg7[%swap3A_17], %broadcast_in_dim3A_16 {strides = array<i32>} : memref<128xf32, #tpu.memory_space<vmem>>, vector<16xf32>,
    %broadcast_in_dim3A_19 = arith.constant 1.000000e+00 : f32
    %broadcast_in_dim3A_20 = vector.broadcast %broadcast_in_dim3A_19 : f32 to vector<16xf32>
    %swap3A_21 = arith.constant 64 : index
    %swap3A_22 = tpu.vector_load %arg7[%swap3A_21] {strides = array<i32>} : memref<128xf32, #tpu.memory_space<vmem>>, vector<16xf32>,
    tpu.vector_store %arg7[%swap3A_21], %broadcast_in_dim3A_20 {strides = array<i32>} : memref<128xf32, #tpu.memory_space<vmem>>, vector<16xf32>,
    %broadcast_in_dim3A_23 = arith.constant 1.000000e+00 : f32
    %broadcast_in_dim3A_24 = vector.broadcast %broadcast_in_dim3A_23 : f32 to vector<16xf32>
    %swap3A_25 = arith.constant 80 : index
    %swap3A_26 = tpu.vector_load %arg7[%swap3A_25] {strides = array<i32>} : memref<128xf32, #tpu.memory_space<vmem>>, vector<16xf32>,
    tpu.vector_store %arg7[%swap3A_25], %broadcast_in_dim3A_24 {strides = array<i32>} : memref<128xf32, #tpu.memory_space<vmem>>, vector<16xf32>,
    %broadcast_in_dim3A_27 = arith.constant 1.000000e+00 : f32
    %broadcast_in_dim3A_28 = vector.broadcast %broadcast_in_dim3A_27 : f32 to vector<16xf32>
    %swap3A_29 = arith.constant 96 : index
    %swap3A_30 = tpu.vector_load %arg7[%swap3A_29] {strides = array<i32>} : memref<128xf32, #tpu.memory_space<vmem>>, vector<16xf32>,
    tpu.vector_store %arg7[%swap3A_29], %broadcast_in_dim3A_28 {strides = array<i32>} : memref<128xf32, #tpu.memory_space<vmem>>, vector<16xf32>,
    %broadcast_in_dim3A_31 = arith.constant 1.000000e+00 : f32
    %broadcast_in_dim3A_32 = vector.broadcast %broadcast_in_dim3A_31 : f32 to vector<16xf32>
    %swap3A_33 = arith.constant 112 : index
    %swap3A_34 = tpu.vector_load %arg7[%swap3A_33] {strides = array<i32>} : memref<128xf32, #tpu.memory_space<vmem>>, vector<16xf32>,
    tpu.vector_store %arg7[%swap3A_33], %broadcast_in_dim3A_32 {strides = array<i32>} : memref<128xf32, #tpu.memory_space<vmem>>, vector<16xf32>,
    %barrier3A = arith.constant 0 : index
    tpu.barrier barrier_id(%barrier3A)
    %scan3A = arith.constant 0 : i32
    %scan3A_35 = arith.constant 0 : i32
    %scan3A_36 = arith.constant 10 : i32
    %scan3A_37 = arith.addi %scan3A_35, %scan3A_36 : i32
    %scan3A_38 = arith.constant 1 : i32
    scf.for %scan3A_45 = %scan3A_35 to %scan3A_37 step %scan3A_38  : i32 {
      %mul3A_46 = arith.constant 8 : i32
      %mul3A_47 = arith.muli %scan3A_45, %mul3A_46 : i32
      %add3A_48 = arith.constant 0 : i32
      %add3A_49 = arith.addi %mul3A_47, %add3A_48 : i32
      %dma_start3A = arith.constant 0 : i32
      %dma_start3A_50 = tpu.memref_slice %arg6[%add3A_49, %dma_start3A] : memref<80x128xi32, #tpu.memory_space<vmem>> -> memref<1x128xi32, #tpu.memory_space<vmem>>
      %dma_start3A_51 = tpu.memref_squeeze %dma_start3A_50 : memref<1x128xi32, #tpu.memory_space<vmem>> -> memref<128xi32, #tpu.memory_space<vmem>>
      %dma_start3A_52 = arith.constant 0 : i32
      %dma_start3A_53 = tpu.memref_slice %arg5[%dma_start3A_52] : memref<10240xf32, #tpu.memory_space<vmem_shared>> -> memref<10240xf32, #tpu.memory_space<vmem_shared>>
      tpu.enqueue_indirect_dma source(%arg7 : memref<128xf32, #tpu.memory_space<vmem>>) target(%dma_start3A_53 : memref<10240xf32, #tpu.memory_space<vmem_shared>>) offsets(%dma_start3A_51 : memref<128xi32, #tpu.memory_space<vmem>>) semaphore(%arg8 : memref<!tpu.dma_semaphore, #tpu.memory_space<semaphore_mem>>) {add = true}
      %mul3A_54 = arith.constant 8 : i32
      %mul3A_55 = arith.muli %scan3A_45, %mul3A_54 : i32
      %add3A_56 = arith.constant 1 : i32
      %add3A_57 = arith.addi %mul3A_55, %add3A_56 : i32
      %dma_start3A_58 = arith.constant 0 : i32
      %dma_start3A_59 = tpu.memref_slice %arg6[%add3A_57, %dma_start3A_58] : memref<80x128xi32, #tpu.memory_space<vmem>> -> memref<1x128xi32, #tpu.memory_space<vmem>>
      %dma_start3A_60 = tpu.memref_squeeze %dma_start3A_59 : memref<1x128xi32, #tpu.memory_space<vmem>> -> memref<128xi32, #tpu.memory_space<vmem>>
      %dma_start3A_61 = arith.constant 0 : i32
      %dma_start3A_62 = tpu.memref_slice %arg5[%dma_start3A_61] : memref<10240xf32, #tpu.memory_space<vmem_shared>> -> memref<10240xf32, #tpu.memory_space<vmem_shared>>
      tpu.enqueue_indirect_dma source(%arg7 : memref<128xf32, #tpu.memory_space<vmem>>) target(%dma_start3A_62 : memref<10240xf32, #tpu.memory_space<vmem_shared>>) offsets(%dma_start3A_60 : memref<128xi32, #tpu.memory_space<vmem>>) semaphore(%arg8 : memref<!tpu.dma_semaphore, #tpu.memory_space<semaphore_mem>>) {add = true}
      %mul3A_63 = arith.constant 8 : i32
      %mul3A_64 = arith.muli %scan3A_45, %mul3A_63 : i32
      %add3A_65 = arith.constant 2 : i32
      %add3A_66 = arith.addi %mul3A_64, %add3A_65 : i32
      %dma_start3A_67 = arith.constant 0 : i32
      %dma_start3A_68 = tpu.memref_slice %arg6[%add3A_66, %dma_start3A_67] : memref<80x128xi32, #tpu.memory_space<vmem>> -> memref<1x128xi32, #tpu.memory_space<vmem>>
      %dma_start3A_69 = tpu.memref_squeeze %dma_start3A_68 : memref<1x128xi32, #tpu.memory_space<vmem>> -> memref<128xi32, #tpu.memory_space<vmem>>
      %dma_start3A_70 = arith.constant 0 : i32
      %dma_start3A_71 = tpu.memref_slice %arg5[%dma_start3A_70] : memref<10240xf32, #tpu.memory_space<vmem_shared>> -> memref<10240xf32, #tpu.memory_space<vmem_shared>>
      tpu.enqueue_indirect_dma source(%arg7 : memref<128xf32, #tpu.memory_space<vmem>>) target(%dma_start3A_71 : memref<10240xf32, #tpu.memory_space<vmem_shared>>) offsets(%dma_start3A_69 : memref<128xi32, #tpu.memory_space<vmem>>) semaphore(%arg8 : memref<!tpu.dma_semaphore, #tpu.memory_space<semaphore_mem>>) {add = true}
      %mul3A_72 = arith.constant 8 : i32
      %mul3A_73 = arith.muli %scan3A_45, %mul3A_72 : i32
      %add3A_74 = arith.constant 3 : i32
      %add3A_75 = arith.addi %mul3A_73, %add3A_74 : i32
      %dma_start3A_76 = arith.constant 0 : i32
      %dma_start3A_77 = tpu.memref_slice %arg6[%add3A_75, %dma_start3A_76] : memref<80x128xi32, #tpu.memory_space<vmem>> -> memref<1x128xi32, #tpu.memory_space<vmem>>
      %dma_start3A_78 = tpu.memref_squeeze %dma_start3A_77 : memref<1x128xi32, #tpu.memory_space<vmem>> -> memref<128xi32, #tpu.memory_space<vmem>>
      %dma_start3A_79 = arith.constant 0 : i32
      %dma_start3A_80 = tpu.memref_slice %arg5[%dma_start3A_79] : memref<10240xf32, #tpu.memory_space<vmem_shared>> -> memref<10240xf32, #tpu.memory_space<vmem_shared>>
      tpu.enqueue_indirect_dma source(%arg7 : memref<128xf32, #tpu.memory_space<vmem>>) target(%dma_start3A_80 : memref<10240xf32, #tpu.memory_space<vmem_shared>>) offsets(%dma_start3A_78 : memref<128xi32, #tpu.memory_space<vmem>>) semaphore(%arg8 : memref<!tpu.dma_semaphore, #tpu.memory_space<semaphore_mem>>) {add = true}
      %mul3A_81 = arith.constant 8 : i32
      %mul3A_82 = arith.muli %scan3A_45, %mul3A_81 : i32
      %add3A_83 = arith.constant 4 : i32
      %add3A_84 = arith.addi %mul3A_82, %add3A_83 : i32
      %dma_start3A_85 = arith.constant 0 : i32
      %dma_start3A_86 = tpu.memref_slice %arg6[%add3A_84, %dma_start3A_85] : memref<80x128xi32, #tpu.memory_space<vmem>> -> memref<1x128xi32, #tpu.memory_space<vmem>>
      %dma_start3A_87 = tpu.memref_squeeze %dma_start3A_86 : memref<1x128xi32, #tpu.memory_space<vmem>> -> memref<128xi32, #tpu.memory_space<vmem>>
      %dma_start3A_88 = arith.constant 0 : i32
      %dma_start3A_89 = tpu.memref_slice %arg5[%dma_start3A_88] : memref<10240xf32, #tpu.memory_space<vmem_shared>> -> memref<10240xf32, #tpu.memory_space<vmem_shared>>
      tpu.enqueue_indirect_dma source(%arg7 : memref<128xf32, #tpu.memory_space<vmem>>) target(%dma_start3A_89 : memref<10240xf32, #tpu.memory_space<vmem_shared>>) offsets(%dma_start3A_87 : memref<128xi32, #tpu.memory_space<vmem>>) semaphore(%arg8 : memref<!tpu.dma_semaphore, #tpu.memory_space<semaphore_mem>>) {add = true}
      %mul3A_90 = arith.constant 8 : i32
      %mul3A_91 = arith.muli %scan3A_45, %mul3A_90 : i32
      %add3A_92 = arith.constant 5 : i32
      %add3A_93 = arith.addi %mul3A_91, %add3A_92 : i32
      %dma_start3A_94 = arith.constant 0 : i32
      %dma_start3A_95 = tpu.memref_slice %arg6[%add3A_93, %dma_start3A_94] : memref<80x128xi32, #tpu.memory_space<vmem>> -> memref<1x128xi32, #tpu.memory_space<vmem>>
      %dma_start3A_96 = tpu.memref_squeeze %dma_start3A_95 : memref<1x128xi32, #tpu.memory_space<vmem>> -> memref<128xi32, #tpu.memory_space<vmem>>
      %dma_start3A_97 = arith.constant 0 : i32
      %dma_start3A_98 = tpu.memref_slice %arg5[%dma_start3A_97] : memref<10240xf32, #tpu.memory_space<vmem_shared>> -> memref<10240xf32, #tpu.memory_space<vmem_shared>>
      tpu.enqueue_indirect_dma source(%arg7 : memref<128xf32, #tpu.memory_space<vmem>>) target(%dma_start3A_98 : memref<10240xf32, #tpu.memory_space<vmem_shared>>) offsets(%dma_start3A_96 : memref<128xi32, #tpu.memory_space<vmem>>) semaphore(%arg8 : memref<!tpu.dma_semaphore, #tpu.memory_space<semaphore_mem>>) {add = true}
      %mul3A_99 = arith.constant 8 : i32
      %mul3A_100 = arith.muli %scan3A_45, %mul3A_99 : i32
      %add3A_101 = arith.constant 6 : i32
      %add3A_102 = arith.addi %mul3A_100, %add3A_101 : i32
      %dma_start3A_103 = arith.constant 0 : i32
      %dma_start3A_104 = tpu.memref_slice %arg6[%add3A_102, %dma_start3A_103] : memref<80x128xi32, #tpu.memory_space<vmem>> -> memref<1x128xi32, #tpu.memory_space<vmem>>
      %dma_start3A_105 = tpu.memref_squeeze %dma_start3A_104 : memref<1x128xi32, #tpu.memory_space<vmem>> -> memref<128xi32, #tpu.memory_space<vmem>>
      %dma_start3A_106 = arith.constant 0 : i32
      %dma_start3A_107 = tpu.memref_slice %arg5[%dma_start3A_106] : memref<10240xf32, #tpu.memory_space<vmem_shared>> -> memref<10240xf32, #tpu.memory_space<vmem_shared>>
      tpu.enqueue_indirect_dma source(%arg7 : memref<128xf32, #tpu.memory_space<vmem>>) target(%dma_start3A_107 : memref<10240xf32, #tpu.memory_space<vmem_shared>>) offsets(%dma_start3A_105 : memref<128xi32, #tpu.memory_space<vmem>>) semaphore(%arg8 : memref<!tpu.dma_semaphore, #tpu.memory_space<semaphore_mem>>) {add = true}
      %mul3A_108 = arith.constant 8 : i32
      %mul3A_109 = arith.muli %scan3A_45, %mul3A_108 : i32
      %add3A_110 = arith.constant 7 : i32
      %add3A_111 = arith.addi %mul3A_109, %add3A_110 : i32
      %dma_start3A_112 = arith.constant 0 : i32
      %dma_start3A_113 = tpu.memref_slice %arg6[%add3A_111, %dma_start3A_112] : memref<80x128xi32, #tpu.memory_space<vmem>> -> memref<1x128xi32, #tpu.memory_space<vmem>>
      %dma_start3A_114 = tpu.memref_squeeze %dma_start3A_113 : memref<1x128xi32, #tpu.memory_space<vmem>> -> memref<128xi32, #tpu.memory_space<vmem>>
      %dma_start3A_115 = arith.constant 0 : i32
      %dma_start3A_116 = tpu.memref_slice %arg5[%dma_start3A_115] : memref<10240xf32, #tpu.memory_space<vmem_shared>> -> memref<10240xf32, #tpu.memory_space<vmem_shared>>
      tpu.enqueue_indirect_dma source(%arg7 : memref<128xf32, #tpu.memory_space<vmem>>) target(%dma_start3A_116 : memref<10240xf32, #tpu.memory_space<vmem_shared>>) offsets(%dma_start3A_114 : memref<128xi32, #tpu.memory_space<vmem>>) semaphore(%arg8 : memref<!tpu.dma_semaphore, #tpu.memory_space<semaphore_mem>>) {add = true}
      %dma_wait3A = arith.constant 0 : i32
      %dma_wait3A_117 = tpu.memref_slice %arg6[%add3A_49, %dma_wait3A] : memref<80x128xi32, #tpu.memory_space<vmem>> -> memref<1x128xi32, #tpu.memory_space<vmem>>
      %dma_wait3A_118 = tpu.memref_squeeze %dma_wait3A_117 : memref<1x128xi32, #tpu.memory_space<vmem>> -> memref<128xi32, #tpu.memory_space<vmem>>
      %dma_wait3A_119 = arith.constant 0 : i32
      %dma_wait3A_120 = tpu.memref_slice %arg5[%dma_wait3A_119] : memref<10240xf32, #tpu.memory_space<vmem_shared>> -> memref<10240xf32, #tpu.memory_space<vmem_shared>>
      tpu.wait_indirect_dma semaphore(%arg8 : memref<!tpu.dma_semaphore, #tpu.memory_space<semaphore_mem>>) src(%arg7 : memref<128xf32, #tpu.memory_space<vmem>>) dst(%dma_wait3A_120 : memref<10240xf32, #tpu.memory_space<vmem_shared>>)
      %dma_wait3A_121 = arith.constant 0 : i32
      %dma_wait3A_122 = tpu.memref_slice %arg6[%add3A_57, %dma_wait3A_121] : memref<80x128xi32, #tpu.memory_space<vmem>> -> memref<1x128xi32, #tpu.memory_space<vmem>>
      %dma_wait3A_123 = tpu.memref_squeeze %dma_wait3A_122 : memref<1x128xi32, #tpu.memory_space<vmem>> -> memref<128xi32, #tpu.memory_space<vmem>>
      %dma_wait3A_124 = arith.constant 0 : i32
      %dma_wait3A_125 = tpu.memref_slice %arg5[%dma_wait3A_124] : memref<10240xf32, #tpu.memory_space<vmem_shared>> -> memref<10240xf32, #tpu.memory_space<vmem_shared>>
      tpu.wait_indirect_dma semaphore(%arg8 : memref<!tpu.dma_semaphore, #tpu.memory_space<semaphore_mem>>) src(%arg7 : memref<128xf32, #tpu.memory_space<vmem>>) dst(%dma_wait3A_125 : memref<10240xf32, #tpu.memory_space<vmem_shared>>)
      %dma_wait3A_126 = arith.constant 0 : i32
      %dma_wait3A_127 = tpu.memref_slice %arg6[%add3A_66, %dma_wait3A_126] : memref<80x128xi32, #tpu.memory_space<vmem>> -> memref<1x128xi32, #tpu.memory_space<vmem>>
      %dma_wait3A_128 = tpu.memref_squeeze %dma_wait3A_127 : memref<1x128xi32, #tpu.memory_space<vmem>> -> memref<128xi32, #tpu.memory_space<vmem>>
      %dma_wait3A_129 = arith.constant 0 : i32
      %dma_wait3A_130 = tpu.memref_slice %arg5[%dma_wait3A_129] : memref<10240xf32, #tpu.memory_space<vmem_shared>> -> memref<10240xf32, #tpu.memory_space<vmem_shared>>
      tpu.wait_indirect_dma semaphore(%arg8 : memref<!tpu.dma_semaphore, #tpu.memory_space<semaphore_mem>>) src(%arg7 : memref<128xf32, #tpu.memory_space<vmem>>) dst(%dma_wait3A_130 : memref<10240xf32, #tpu.memory_space<vmem_shared>>)
      %dma_wait3A_131 = arith.constant 0 : i32
      %dma_wait3A_132 = tpu.memref_slice %arg6[%add3A_75, %dma_wait3A_131] : memref<80x128xi32, #tpu.memory_space<vmem>> -> memref<1x128xi32, #tpu.memory_space<vmem>>
      %dma_wait3A_133 = tpu.memref_squeeze %dma_wait3A_132 : memref<1x128xi32, #tpu.memory_space<vmem>> -> memref<128xi32, #tpu.memory_space<vmem>>
      %dma_wait3A_134 = arith.constant 0 : i32
      %dma_wait3A_135 = tpu.memref_slice %arg5[%dma_wait3A_134] : memref<10240xf32, #tpu.memory_space<vmem_shared>> -> memref<10240xf32, #tpu.memory_space<vmem_shared>>
      tpu.wait_indirect_dma semaphore(%arg8 : memref<!tpu.dma_semaphore, #tpu.memory_space<semaphore_mem>>) src(%arg7 : memref<128xf32, #tpu.memory_space<vmem>>) dst(%dma_wait3A_135 : memref<10240xf32, #tpu.memory_space<vmem_shared>>)
      %dma_wait3A_136 = arith.constant 0 : i32
      %dma_wait3A_137 = tpu.memref_slice %arg6[%add3A_84, %dma_wait3A_136] : memref<80x128xi32, #tpu.memory_space<vmem>> -> memref<1x128xi32, #tpu.memory_space<vmem>>
      %dma_wait3A_138 = tpu.memref_squeeze %dma_wait3A_137 : memref<1x128xi32, #tpu.memory_space<vmem>> -> memref<128xi32, #tpu.memory_space<vmem>>
      %dma_wait3A_139 = arith.constant 0 : i32
      %dma_wait3A_140 = tpu.memref_slice %arg5[%dma_wait3A_139] : memref<10240xf32, #tpu.memory_space<vmem_shared>> -> memref<10240xf32, #tpu.memory_space<vmem_shared>>
      tpu.wait_indirect_dma semaphore(%arg8 : memref<!tpu.dma_semaphore, #tpu.memory_space<semaphore_mem>>) src(%arg7 : memref<128xf32, #tpu.memory_space<vmem>>) dst(%dma_wait3A_140 : memref<10240xf32, #tpu.memory_space<vmem_shared>>)
      %dma_wait3A_141 = arith.constant 0 : i32
      %dma_wait3A_142 = tpu.memref_slice %arg6[%add3A_93, %dma_wait3A_141] : memref<80x128xi32, #tpu.memory_space<vmem>> -> memref<1x128xi32, #tpu.memory_space<vmem>>
      %dma_wait3A_143 = tpu.memref_squeeze %dma_wait3A_142 : memref<1x128xi32, #tpu.memory_space<vmem>> -> memref<128xi32, #tpu.memory_space<vmem>>
      %dma_wait3A_144 = arith.constant 0 : i32
      %dma_wait3A_145 = tpu.memref_slice %arg5[%dma_wait3A_144] : memref<10240xf32, #tpu.memory_space<vmem_shared>> -> memref<10240xf32, #tpu.memory_space<vmem_shared>>
      tpu.wait_indirect_dma semaphore(%arg8 : memref<!tpu.dma_semaphore, #tpu.memory_space<semaphore_mem>>) src(%arg7 : memref<128xf32, #tpu.memory_space<vmem>>) dst(%dma_wait3A_145 : memref<10240xf32, #tpu.memory_space<vmem_shared>>)
      %dma_wait3A_146 = arith.constant 0 : i32
      %dma_wait3A_147 = tpu.memref_slice %arg6[%add3A_102, %dma_wait3A_146] : memref<80x128xi32, #tpu.memory_space<vmem>> -> memref<1x128xi32, #tpu.memory_space<vmem>>
      %dma_wait3A_148 = tpu.memref_squeeze %dma_wait3A_147 : memref<1x128xi32, #tpu.memory_space<vmem>> -> memref<128xi32, #tpu.memory_space<vmem>>
      %dma_wait3A_149 = arith.constant 0 : i32
      %dma_wait3A_150 = tpu.memref_slice %arg5[%dma_wait3A_149] : memref<10240xf32, #tpu.memory_space<vmem_shared>> -> memref<10240xf32, #tpu.memory_space<vmem_shared>>
      tpu.wait_indirect_dma semaphore(%arg8 : memref<!tpu.dma_semaphore, #tpu.memory_space<semaphore_mem>>) src(%arg7 : memref<128xf32, #tpu.memory_space<vmem>>) dst(%dma_wait3A_150 : memref<10240xf32, #tpu.memory_space<vmem_shared>>)
      %dma_wait3A_151 = arith.constant 0 : i32
      %dma_wait3A_152 = tpu.memref_slice %arg6[%add3A_111, %dma_wait3A_151] : memref<80x128xi32, #tpu.memory_space<vmem>> -> memref<1x128xi32, #tpu.memory_space<vmem>>
      %dma_wait3A_153 = tpu.memref_squeeze %dma_wait3A_152 : memref<1x128xi32, #tpu.memory_space<vmem>> -> memref<128xi32, #tpu.memory_space<vmem>>
      %dma_wait3A_154 = arith.constant 0 : i32
      %dma_wait3A_155 = tpu.memref_slice %arg5[%dma_wait3A_154] : memref<10240xf32, #tpu.memory_space<vmem_shared>> -> memref<10240xf32, #tpu.memory_space<vmem_shared>>
      tpu.wait_indirect_dma semaphore(%arg8 : memref<!tpu.dma_semaphore, #tpu.memory_space<semaphore_mem>>) src(%arg7 : memref<128xf32, #tpu.memory_space<vmem>>) dst(%dma_wait3A_155 : memref<10240xf32, #tpu.memory_space<vmem_shared>>)
    }
    %scan3A_39 = arith.constant 10 : i32
    %barrier3A_40 = arith.constant 0 : index
    tpu.barrier barrier_id(%barrier3A_40)
    %mul3A_41 = arith.constant 640 : i32
    %mul3A_42 = arith.muli %arg1, %mul3A_41 : i32
    %mul3A_43 = arith.constant 640 : i32
    %mul3A_44 = arith.muli %arg1, %mul3A_43 : i32
    "tpu.region"() ({
      %run_scoped3A = tpu.sem_alloc : memref<!tpu.dma_semaphore, #tpu.memory_space<semaphore_mem>>
      %dma_start3A = tpu.memref_slice %arg4[%arg0, %mul3A_44] : memref<2x10240xf32, #tpu.memory_space<hbm>> -> memref<1x640xf32, #tpu.memory_space<hbm>>
      %dma_start3A_45 = tpu.memref_squeeze %dma_start3A : memref<1x640xf32, #tpu.memory_space<hbm>> -> memref<640xf32, #tpu.memory_space<hbm>>
      %dma_start3A_46 = tpu.memref_slice %arg5[%mul3A_42] : memref<10240xf32, #tpu.memory_space<vmem_shared>> -> memref<640xf32, #tpu.memory_space<vmem_shared>>
      tpu.enqueue_dma source(%dma_start3A_46 : memref<640xf32, #tpu.memory_space<vmem_shared>>) target(%dma_start3A_45 : memref<640xf32, #tpu.memory_space<hbm>>) target_semaphore(%run_scoped3A : memref<!tpu.dma_semaphore, #tpu.memory_space<semaphore_mem>>)
      %dma_wait3A = tpu.memref_slice %arg4[%arg0, %mul3A_44] : memref<2x10240xf32, #tpu.memory_space<hbm>> -> memref<1x640xf32, #tpu.memory_space<hbm>>
      %dma_wait3A_47 = tpu.memref_squeeze %dma_wait3A : memref<1x640xf32, #tpu.memory_space<hbm>> -> memref<640xf32, #tpu.memory_space<hbm>>
      %dma_wait3A_48 = tpu.memref_slice %arg5[%mul3A_42] : memref<10240xf32, #tpu.memory_space<vmem_shared>> -> memref<640xf32, #tpu.memory_space<vmem_shared>>
      tpu.wait_dma2 semaphore(%run_scoped3A : memref<!tpu.dma_semaphore, #tpu.memory_space<semaphore_mem>>) src(%dma_wait3A_48 : memref<640xf32, #tpu.memory_space<vmem_shared>>) dst(%dma_wait3A_47 : memref<640xf32, #tpu.memory_space<hbm>>)
      tpu.yield
    }) : () -> ()
    return
  }
}

#map = affine_map<(d0, d1) -> (0, 0)>
#map1 = affine_map<(d0, d1) -> (0, 0, 0)>
module attributes {stable_mosaic.version = 14 : i64} {
  func.func @scat_kernel(%arg0: i32, %arg1: i32, %arg2: memref<10240x128xf32, #tpu.memory_space<hbm>>, %arg3: memref<32x80x128xi32, #tpu.memory_space<hbm>>, %arg4: memref<32x80x128xi32, #tpu.memory_space<hbm>>, %arg5: memref<10240x128xf32, #tpu.memory_space<hbm>>, %arg6: memref<2x10240x128xf32, #tpu.memory_space<hbm>>, %arg7: memref<10240x128xf32, #tpu.memory_space<vmem_shared>>, %arg8: memref<80x128xi32, #tpu.memory_space<vmem>>, %arg9: memref<80x128xi32, #tpu.memory_space<vmem>>, %arg10: memref<128x128xf32, #tpu.memory_space<vmem>>, %arg11: memref<!tpu.dma_semaphore, #tpu.memory_space<semaphore_mem>>) attributes {dimension_semantics = [#tpu.dimension_semantics<core_parallel>, #tpu.dimension_semantics<subcore_parallel>], iteration_bounds = array<i64: 2, 16>, scalar_prefetch = 0 : i64, scratch_operands = 5 : i64, tpu.core_type = #tpu.core_type<sc_vector_subcore>, window_params = [{transform_indices = #map}, {transform_indices = #map1}, {transform_indices = #map1}, {transform_indices = #map}, {transform_indices = #map1}]} {
    %mul3A = arith.constant 16 : i32
    %mul3A_0 = arith.muli %arg0, %mul3A : i32
    %add3A = arith.addi %mul3A_0, %arg1 : i32
    %mul3A_1 = arith.constant 640 : i32
    %mul3A_2 = arith.muli %arg1, %mul3A_1 : i32
    %mul3A_3 = arith.constant 640 : i32
    %mul3A_4 = arith.muli %arg1, %mul3A_3 : i32
    "tpu.region"() ({
      %run_scoped3A = tpu.sem_alloc : memref<!tpu.dma_semaphore, #tpu.memory_space<semaphore_mem>>
      %dma_start3A = arith.constant 0 : i32
      %dma_start3A_15 = tpu.memref_slice %arg7[%mul3A_4, %dma_start3A] : memref<10240x128xf32, #tpu.memory_space<vmem_shared>> -> memref<640x128xf32, #tpu.memory_space<vmem_shared>>
      %dma_start3A_16 = arith.constant 0 : i32
      %dma_start3A_17 = tpu.memref_slice %arg5[%mul3A_2, %dma_start3A_16] : memref<10240x128xf32, #tpu.memory_space<hbm>> -> memref<640x128xf32, #tpu.memory_space<hbm>>
      tpu.enqueue_dma source(%dma_start3A_17 : memref<640x128xf32, #tpu.memory_space<hbm>>) target(%dma_start3A_15 : memref<640x128xf32, #tpu.memory_space<vmem_shared>>) target_semaphore(%run_scoped3A : memref<!tpu.dma_semaphore, #tpu.memory_space<semaphore_mem>>)
      %dma_wait3A = arith.constant 0 : i32
      %dma_wait3A_18 = tpu.memref_slice %arg7[%mul3A_4, %dma_wait3A] : memref<10240x128xf32, #tpu.memory_space<vmem_shared>> -> memref<640x128xf32, #tpu.memory_space<vmem_shared>>
      %dma_wait3A_19 = arith.constant 0 : i32
      %dma_wait3A_20 = tpu.memref_slice %arg5[%mul3A_2, %dma_wait3A_19] : memref<10240x128xf32, #tpu.memory_space<hbm>> -> memref<640x128xf32, #tpu.memory_space<hbm>>
      tpu.wait_dma2 semaphore(%run_scoped3A : memref<!tpu.dma_semaphore, #tpu.memory_space<semaphore_mem>>) src(%dma_wait3A_20 : memref<640x128xf32, #tpu.memory_space<hbm>>) dst(%dma_wait3A_18 : memref<640x128xf32, #tpu.memory_space<vmem_shared>>)
      tpu.yield
    }) : () -> ()
    "tpu.region"() ({
      %run_scoped3A = tpu.sem_alloc : memref<!tpu.dma_semaphore, #tpu.memory_space<semaphore_mem>>
      %dma_start3A = arith.constant 0 : i32
      %dma_start3A_15 = arith.constant 0 : i32
      %dma_start3A_16 = tpu.memref_slice %arg3[%add3A, %dma_start3A, %dma_start3A_15] : memref<32x80x128xi32, #tpu.memory_space<hbm>> -> memref<1x80x128xi32, #tpu.memory_space<hbm>>
      %dma_start3A_17 = tpu.memref_squeeze %dma_start3A_16 : memref<1x80x128xi32, #tpu.memory_space<hbm>> -> memref<80x128xi32, #tpu.memory_space<hbm>>
      %dma_start3A_18 = arith.constant 0 : i32
      %dma_start3A_19 = arith.constant 0 : i32
      %dma_start3A_20 = tpu.memref_slice %arg3[%add3A, %dma_start3A_18, %dma_start3A_19] : memref<32x80x128xi32, #tpu.memory_space<hbm>> -> memref<1x80x128xi32, #tpu.memory_space<hbm>>
      %dma_start3A_21 = tpu.memref_squeeze %dma_start3A_20 : memref<1x80x128xi32, #tpu.memory_space<hbm>> -> memref<80x128xi32, #tpu.memory_space<hbm>>
      tpu.enqueue_dma source(%dma_start3A_21 : memref<80x128xi32, #tpu.memory_space<hbm>>) target(%arg8 : memref<80x128xi32, #tpu.memory_space<vmem>>) target_semaphore(%run_scoped3A : memref<!tpu.dma_semaphore, #tpu.memory_space<semaphore_mem>>)
      %dma_wait3A = arith.constant 0 : i32
      %dma_wait3A_22 = arith.constant 0 : i32
      %dma_wait3A_23 = tpu.memref_slice %arg3[%add3A, %dma_wait3A, %dma_wait3A_22] : memref<32x80x128xi32, #tpu.memory_space<hbm>> -> memref<1x80x128xi32, #tpu.memory_space<hbm>>
      %dma_wait3A_24 = tpu.memref_squeeze %dma_wait3A_23 : memref<1x80x128xi32, #tpu.memory_space<hbm>> -> memref<80x128xi32, #tpu.memory_space<hbm>>
      %dma_wait3A_25 = arith.constant 0 : i32
      %dma_wait3A_26 = arith.constant 0 : i32
      %dma_wait3A_27 = tpu.memref_slice %arg3[%add3A, %dma_wait3A_25, %dma_wait3A_26] : memref<32x80x128xi32, #tpu.memory_space<hbm>> -> memref<1x80x128xi32, #tpu.memory_space<hbm>>
      %dma_wait3A_28 = tpu.memref_squeeze %dma_wait3A_27 : memref<1x80x128xi32, #tpu.memory_space<hbm>> -> memref<80x128xi32, #tpu.memory_space<hbm>>
      tpu.wait_dma2 semaphore(%run_scoped3A : memref<!tpu.dma_semaphore, #tpu.memory_space<semaphore_mem>>) src(%dma_wait3A_28 : memref<80x128xi32, #tpu.memory_space<hbm>>) dst(%arg8 : memref<80x128xi32, #tpu.memory_space<vmem>>)
      tpu.yield
    }) : () -> ()
    "tpu.region"() ({
      %run_scoped3A = tpu.sem_alloc : memref<!tpu.dma_semaphore, #tpu.memory_space<semaphore_mem>>
      %dma_start3A = arith.constant 0 : i32
      %dma_start3A_15 = arith.constant 0 : i32
      %dma_start3A_16 = tpu.memref_slice %arg4[%add3A, %dma_start3A, %dma_start3A_15] : memref<32x80x128xi32, #tpu.memory_space<hbm>> -> memref<1x80x128xi32, #tpu.memory_space<hbm>>
      %dma_start3A_17 = tpu.memref_squeeze %dma_start3A_16 : memref<1x80x128xi32, #tpu.memory_space<hbm>> -> memref<80x128xi32, #tpu.memory_space<hbm>>
      %dma_start3A_18 = arith.constant 0 : i32
      %dma_start3A_19 = arith.constant 0 : i32
      %dma_start3A_20 = tpu.memref_slice %arg4[%add3A, %dma_start3A_18, %dma_start3A_19] : memref<32x80x128xi32, #tpu.memory_space<hbm>> -> memref<1x80x128xi32, #tpu.memory_space<hbm>>
      %dma_start3A_21 = tpu.memref_squeeze %dma_start3A_20 : memref<1x80x128xi32, #tpu.memory_space<hbm>> -> memref<80x128xi32, #tpu.memory_space<hbm>>
      tpu.enqueue_dma source(%dma_start3A_21 : memref<80x128xi32, #tpu.memory_space<hbm>>) target(%arg9 : memref<80x128xi32, #tpu.memory_space<vmem>>) target_semaphore(%run_scoped3A : memref<!tpu.dma_semaphore, #tpu.memory_space<semaphore_mem>>)
      %dma_wait3A = arith.constant 0 : i32
      %dma_wait3A_22 = arith.constant 0 : i32
      %dma_wait3A_23 = tpu.memref_slice %arg4[%add3A, %dma_wait3A, %dma_wait3A_22] : memref<32x80x128xi32, #tpu.memory_space<hbm>> -> memref<1x80x128xi32, #tpu.memory_space<hbm>>
      %dma_wait3A_24 = tpu.memref_squeeze %dma_wait3A_23 : memref<1x80x128xi32, #tpu.memory_space<hbm>> -> memref<80x128xi32, #tpu.memory_space<hbm>>
      %dma_wait3A_25 = arith.constant 0 : i32
      %dma_wait3A_26 = arith.constant 0 : i32
      %dma_wait3A_27 = tpu.memref_slice %arg4[%add3A, %dma_wait3A_25, %dma_wait3A_26] : memref<32x80x128xi32, #tpu.memory_space<hbm>> -> memref<1x80x128xi32, #tpu.memory_space<hbm>>
      %dma_wait3A_28 = tpu.memref_squeeze %dma_wait3A_27 : memref<1x80x128xi32, #tpu.memory_space<hbm>> -> memref<80x128xi32, #tpu.memory_space<hbm>>
      tpu.wait_dma2 semaphore(%run_scoped3A : memref<!tpu.dma_semaphore, #tpu.memory_space<semaphore_mem>>) src(%dma_wait3A_28 : memref<80x128xi32, #tpu.memory_space<hbm>>) dst(%arg9 : memref<80x128xi32, #tpu.memory_space<vmem>>)
      tpu.yield
    }) : () -> ()
    %barrier3A = arith.constant 0 : index
    tpu.barrier barrier_id(%barrier3A)
    %scan3A = arith.constant 0 : i32
    %scan3A_5 = arith.constant 0 : i32
    %scan3A_6 = arith.constant 80 : i32
    %scan3A_7 = arith.addi %scan3A_5, %scan3A_6 : i32
    %scan3A_8 = arith.constant 1 : i32
    scf.for %scan3A_15 = %scan3A_5 to %scan3A_7 step %scan3A_8  : i32 {
      %dma_start3A = arith.constant 0 : i32
      %dma_start3A_16 = tpu.memref_slice %arg8[%scan3A_15, %dma_start3A] : memref<80x128xi32, #tpu.memory_space<vmem>> -> memref<1x128xi32, #tpu.memory_space<vmem>>
      %dma_start3A_17 = tpu.memref_squeeze %dma_start3A_16 : memref<1x128xi32, #tpu.memory_space<vmem>> -> memref<128xi32, #tpu.memory_space<vmem>>
      %dma_start3A_18 = arith.constant 0 : i32
      %dma_start3A_19 = arith.constant 0 : i32
      %dma_start3A_20 = tpu.memref_slice %arg2[%dma_start3A_18, %dma_start3A_19] : memref<10240x128xf32, #tpu.memory_space<hbm>> -> memref<10240x128xf32, #tpu.memory_space<hbm>>
      tpu.enqueue_indirect_dma source(%dma_start3A_20 : memref<10240x128xf32, #tpu.memory_space<hbm>>) target(%arg10 : memref<128x128xf32, #tpu.memory_space<vmem>>) offsets(%dma_start3A_17 : memref<128xi32, #tpu.memory_space<vmem>>) semaphore(%arg11 : memref<!tpu.dma_semaphore, #tpu.memory_space<semaphore_mem>>)
      %dma_wait3A = arith.constant 0 : i32
      %dma_wait3A_21 = tpu.memref_slice %arg8[%scan3A_15, %dma_wait3A] : memref<80x128xi32, #tpu.memory_space<vmem>> -> memref<1x128xi32, #tpu.memory_space<vmem>>
      %dma_wait3A_22 = tpu.memref_squeeze %dma_wait3A_21 : memref<1x128xi32, #tpu.memory_space<vmem>> -> memref<128xi32, #tpu.memory_space<vmem>>
      %dma_wait3A_23 = arith.constant 0 : i32
      %dma_wait3A_24 = arith.constant 0 : i32
      %dma_wait3A_25 = tpu.memref_slice %arg2[%dma_wait3A_23, %dma_wait3A_24] : memref<10240x128xf32, #tpu.memory_space<hbm>> -> memref<10240x128xf32, #tpu.memory_space<hbm>>
      tpu.wait_indirect_dma semaphore(%arg11 : memref<!tpu.dma_semaphore, #tpu.memory_space<semaphore_mem>>) src(%dma_wait3A_25 : memref<10240x128xf32, #tpu.memory_space<hbm>>) dst(%arg10 : memref<128x128xf32, #tpu.memory_space<vmem>>)
      "tpu.region"() ({
        %run_scoped3A = tpu.sem_alloc : memref<!tpu.dma_semaphore, #tpu.memory_space<semaphore_mem>>
        %dma_start3A_26 = arith.constant 0 : i32
        %dma_start3A_27 = tpu.memref_slice %arg9[%scan3A_15, %dma_start3A_26] : memref<80x128xi32, #tpu.memory_space<vmem>> -> memref<1x128xi32, #tpu.memory_space<vmem>>
        %dma_start3A_28 = tpu.memref_squeeze %dma_start3A_27 : memref<1x128xi32, #tpu.memory_space<vmem>> -> memref<128xi32, #tpu.memory_space<vmem>>
        %dma_start3A_29 = arith.constant 0 : i32
        %dma_start3A_30 = arith.constant 0 : i32
        %dma_start3A_31 = tpu.memref_slice %arg7[%dma_start3A_29, %dma_start3A_30] : memref<10240x128xf32, #tpu.memory_space<vmem_shared>> -> memref<10240x128xf32, #tpu.memory_space<vmem_shared>>
        tpu.enqueue_indirect_dma source(%arg10 : memref<128x128xf32, #tpu.memory_space<vmem>>) target(%dma_start3A_31 : memref<10240x128xf32, #tpu.memory_space<vmem_shared>>) offsets(%dma_start3A_28 : memref<128xi32, #tpu.memory_space<vmem>>) semaphore(%run_scoped3A : memref<!tpu.dma_semaphore, #tpu.memory_space<semaphore_mem>>) {add = true}
        %dma_wait3A_32 = arith.constant 0 : i32
        %dma_wait3A_33 = tpu.memref_slice %arg9[%scan3A_15, %dma_wait3A_32] : memref<80x128xi32, #tpu.memory_space<vmem>> -> memref<1x128xi32, #tpu.memory_space<vmem>>
        %dma_wait3A_34 = tpu.memref_squeeze %dma_wait3A_33 : memref<1x128xi32, #tpu.memory_space<vmem>> -> memref<128xi32, #tpu.memory_space<vmem>>
        %dma_wait3A_35 = arith.constant 0 : i32
        %dma_wait3A_36 = arith.constant 0 : i32
        %dma_wait3A_37 = tpu.memref_slice %arg7[%dma_wait3A_35, %dma_wait3A_36] : memref<10240x128xf32, #tpu.memory_space<vmem_shared>> -> memref<10240x128xf32, #tpu.memory_space<vmem_shared>>
        tpu.wait_indirect_dma semaphore(%run_scoped3A : memref<!tpu.dma_semaphore, #tpu.memory_space<semaphore_mem>>) src(%arg10 : memref<128x128xf32, #tpu.memory_space<vmem>>) dst(%dma_wait3A_37 : memref<10240x128xf32, #tpu.memory_space<vmem_shared>>)
        tpu.yield
      }) : () -> ()
    }
    %scan3A_9 = arith.constant 80 : i32
    %barrier3A_10 = arith.constant 0 : index
    tpu.barrier barrier_id(%barrier3A_10)
    %mul3A_11 = arith.constant 640 : i32
    %mul3A_12 = arith.muli %arg1, %mul3A_11 : i32
    %mul3A_13 = arith.constant 640 : i32
    %mul3A_14 = arith.muli %arg1, %mul3A_13 : i32
    "tpu.region"() ({
      %run_scoped3A = tpu.sem_alloc : memref<!tpu.dma_semaphore, #tpu.memory_space<semaphore_mem>>
      %dma_start3A = arith.constant 0 : i32
      %dma_start3A_15 = tpu.memref_slice %arg6[%arg0, %mul3A_14, %dma_start3A] : memref<2x10240x128xf32, #tpu.memory_space<hbm>> -> memref<1x640x128xf32, #tpu.memory_space<hbm>>
      %dma_start3A_16 = tpu.memref_squeeze %dma_start3A_15 : memref<1x640x128xf32, #tpu.memory_space<hbm>> -> memref<640x128xf32, #tpu.memory_space<hbm>>
      %dma_start3A_17 = arith.constant 0 : i32
      %dma_start3A_18 = tpu.memref_slice %arg7[%mul3A_12, %dma_start3A_17] : memref<10240x128xf32, #tpu.memory_space<vmem_shared>> -> memref<640x128xf32, #tpu.memory_space<vmem_shared>>
      tpu.enqueue_dma source(%dma_start3A_18 : memref<640x128xf32, #tpu.memory_space<vmem_shared>>) target(%dma_start3A_16 : memref<640x128xf32, #tpu.memory_space<hbm>>) target_semaphore(%run_scoped3A : memref<!tpu.dma_semaphore, #tpu.memory_space<semaphore_mem>>)
      %dma_wait3A = arith.constant 0 : i32
      %dma_wait3A_19 = tpu.memref_slice %arg6[%arg0, %mul3A_14, %dma_wait3A] : memref<2x10240x128xf32, #tpu.memory_space<hbm>> -> memref<1x640x128xf32, #tpu.memory_space<hbm>>
      %dma_wait3A_20 = tpu.memref_squeeze %dma_wait3A_19 : memref<1x640x128xf32, #tpu.memory_space<hbm>> -> memref<640x128xf32, #tpu.memory_space<hbm>>
      %dma_wait3A_21 = arith.constant 0 : i32
      %dma_wait3A_22 = tpu.memref_slice %arg7[%mul3A_12, %dma_wait3A_21] : memref<10240x128xf32, #tpu.memory_space<vmem_shared>> -> memref<640x128xf32, #tpu.memory_space<vmem_shared>>
      tpu.wait_dma2 semaphore(%run_scoped3A : memref<!tpu.dma_semaphore, #tpu.memory_space<semaphore_mem>>) src(%dma_wait3A_22 : memref<640x128xf32, #tpu.memory_space<vmem_shared>>) dst(%dma_wait3A_20 : memref<640x128xf32, #tpu.memory_space<hbm>>)
      tpu.yield
    }) : () -> ()
    return
  }
}

#map = affine_map<(d0, d1) -> (0, 0)>
#map1 = affine_map<(d0, d1) -> (0, 0, 0, 0)>
#map2 = affine_map<(d0, d1) -> (0)>
module attributes {stable_mosaic.version = 14 : i64} {
  func.func @l2agg_kernel(%arg0: i32, %arg1: i32, %arg2: memref<80x128xf32, #tpu.memory_space<hbm>>, %arg3: memref<2x16x80x128xi32, #tpu.memory_space<hbm>>, %arg4: memref<2x16x80x128xi32, #tpu.memory_space<hbm>>, %arg5: memref<10240xf32, #tpu.memory_space<hbm>>, %arg6: memref<2x10240xf32, #tpu.memory_space<hbm>>, %arg7: memref<10240xf32, #tpu.memory_space<vmem_shared>>, %arg8: memref<80x128xi32, #tpu.memory_space<vmem>>, %arg9: memref<80x128xi32, #tpu.memory_space<vmem>>, %arg10: memref<80x128xf32, #tpu.memory_space<vmem>>, %arg11: memref<128xf32, #tpu.memory_space<vmem>>, %arg12: memref<128xf32, #tpu.memory_space<vmem>>, %arg13: memref<!tpu.dma_semaphore, #tpu.memory_space<semaphore_mem>>, %arg14: memref<!tpu.dma_semaphore, #tpu.memory_space<semaphore_mem>>) attributes {dimension_semantics = [#tpu.dimension_semantics<core_parallel>, #tpu.dimension_semantics<subcore_parallel>], iteration_bounds = array<i64: 2, 16>, scalar_prefetch = 0 : i64, scratch_operands = 8 : i64, tpu.core_type = #tpu.core_type<sc_vector_subcore>, window_params = [{transform_indices = #map}, {transform_indices = #map1}, {transform_indices = #map1}, {transform_indices = #map2}, {transform_indices = #map}]} {
    %mul3A = arith.constant 640 : i32
    %mul3A_0 = arith.muli %arg1, %mul3A : i32
    %mul3A_1 = arith.constant 640 : i32
    %mul3A_2 = arith.muli %arg1, %mul3A_1 : i32
    "tpu.region"() ({
      %run_scoped3A = tpu.sem_alloc : memref<!tpu.dma_semaphore, #tpu.memory_space<semaphore_mem>>
      %dma_start3A = tpu.memref_slice %arg7[%mul3A_2] : memref<10240xf32, #tpu.memory_space<vmem_shared>> -> memref<640xf32, #tpu.memory_space<vmem_shared>>
      %dma_start3A_13 = tpu.memref_slice %arg5[%mul3A_0] : memref<10240xf32, #tpu.memory_space<hbm>> -> memref<640xf32, #tpu.memory_space<hbm>>
      tpu.enqueue_dma source(%dma_start3A_13 : memref<640xf32, #tpu.memory_space<hbm>>) target(%dma_start3A : memref<640xf32, #tpu.memory_space<vmem_shared>>) target_semaphore(%run_scoped3A : memref<!tpu.dma_semaphore, #tpu.memory_space<semaphore_mem>>)
      %dma_wait3A = tpu.memref_slice %arg7[%mul3A_2] : memref<10240xf32, #tpu.memory_space<vmem_shared>> -> memref<640xf32, #tpu.memory_space<vmem_shared>>
      %dma_wait3A_14 = tpu.memref_slice %arg5[%mul3A_0] : memref<10240xf32, #tpu.memory_space<hbm>> -> memref<640xf32, #tpu.memory_space<hbm>>
      tpu.wait_dma2 semaphore(%run_scoped3A : memref<!tpu.dma_semaphore, #tpu.memory_space<semaphore_mem>>) src(%dma_wait3A_14 : memref<640xf32, #tpu.memory_space<hbm>>) dst(%dma_wait3A : memref<640xf32, #tpu.memory_space<vmem_shared>>)
      tpu.yield
    }) : () -> ()
    "tpu.region"() ({
      %run_scoped3A = tpu.sem_alloc : memref<!tpu.dma_semaphore, #tpu.memory_space<semaphore_mem>>
      %dma_start3A = arith.constant 0 : i32
      %dma_start3A_13 = arith.constant 0 : i32
      %dma_start3A_14 = tpu.memref_slice %arg3[%arg0, %arg1, %dma_start3A, %dma_start3A_13] : memref<2x16x80x128xi32, #tpu.memory_space<hbm>> -> memref<1x1x80x128xi32, #tpu.memory_space<hbm>>
      %dma_start3A_15 = tpu.memref_squeeze %dma_start3A_14 : memref<1x1x80x128xi32, #tpu.memory_space<hbm>> -> memref<80x128xi32, #tpu.memory_space<hbm>>
      %dma_start3A_16 = arith.constant 0 : i32
      %dma_start3A_17 = arith.constant 0 : i32
      %dma_start3A_18 = tpu.memref_slice %arg3[%arg0, %arg1, %dma_start3A_16, %dma_start3A_17] : memref<2x16x80x128xi32, #tpu.memory_space<hbm>> -> memref<1x1x80x128xi32, #tpu.memory_space<hbm>>
      %dma_start3A_19 = tpu.memref_squeeze %dma_start3A_18 : memref<1x1x80x128xi32, #tpu.memory_space<hbm>> -> memref<80x128xi32, #tpu.memory_space<hbm>>
      tpu.enqueue_dma source(%dma_start3A_19 : memref<80x128xi32, #tpu.memory_space<hbm>>) target(%arg8 : memref<80x128xi32, #tpu.memory_space<vmem>>) target_semaphore(%run_scoped3A : memref<!tpu.dma_semaphore, #tpu.memory_space<semaphore_mem>>)
      %dma_wait3A = arith.constant 0 : i32
      %dma_wait3A_20 = arith.constant 0 : i32
      %dma_wait3A_21 = tpu.memref_slice %arg3[%arg0, %arg1, %dma_wait3A, %dma_wait3A_20] : memref<2x16x80x128xi32, #tpu.memory_space<hbm>> -> memref<1x1x80x128xi32, #tpu.memory_space<hbm>>
      %dma_wait3A_22 = tpu.memref_squeeze %dma_wait3A_21 : memref<1x1x80x128xi32, #tpu.memory_space<hbm>> -> memref<80x128xi32, #tpu.memory_space<hbm>>
      %dma_wait3A_23 = arith.constant 0 : i32
      %dma_wait3A_24 = arith.constant 0 : i32
      %dma_wait3A_25 = tpu.memref_slice %arg3[%arg0, %arg1, %dma_wait3A_23, %dma_wait3A_24] : memref<2x16x80x128xi32, #tpu.memory_space<hbm>> -> memref<1x1x80x128xi32, #tpu.memory_space<hbm>>
      %dma_wait3A_26 = tpu.memref_squeeze %dma_wait3A_25 : memref<1x1x80x128xi32, #tpu.memory_space<hbm>> -> memref<80x128xi32, #tpu.memory_space<hbm>>
      tpu.wait_dma2 semaphore(%run_scoped3A : memref<!tpu.dma_semaphore, #tpu.memory_space<semaphore_mem>>) src(%dma_wait3A_26 : memref<80x128xi32, #tpu.memory_space<hbm>>) dst(%arg8 : memref<80x128xi32, #tpu.memory_space<vmem>>)
      tpu.yield
    }) : () -> ()
    "tpu.region"() ({
      %run_scoped3A = tpu.sem_alloc : memref<!tpu.dma_semaphore, #tpu.memory_space<semaphore_mem>>
      %dma_start3A = arith.constant 0 : i32
      %dma_start3A_13 = arith.constant 0 : i32
      %dma_start3A_14 = tpu.memref_slice %arg4[%arg0, %arg1, %dma_start3A, %dma_start3A_13] : memref<2x16x80x128xi32, #tpu.memory_space<hbm>> -> memref<1x1x80x128xi32, #tpu.memory_space<hbm>>
      %dma_start3A_15 = tpu.memref_squeeze %dma_start3A_14 : memref<1x1x80x128xi32, #tpu.memory_space<hbm>> -> memref<80x128xi32, #tpu.memory_space<hbm>>
      %dma_start3A_16 = arith.constant 0 : i32
      %dma_start3A_17 = arith.constant 0 : i32
      %dma_start3A_18 = tpu.memref_slice %arg4[%arg0, %arg1, %dma_start3A_16, %dma_start3A_17] : memref<2x16x80x128xi32, #tpu.memory_space<hbm>> -> memref<1x1x80x128xi32, #tpu.memory_space<hbm>>
      %dma_start3A_19 = tpu.memref_squeeze %dma_start3A_18 : memref<1x1x80x128xi32, #tpu.memory_space<hbm>> -> memref<80x128xi32, #tpu.memory_space<hbm>>
      tpu.enqueue_dma source(%dma_start3A_19 : memref<80x128xi32, #tpu.memory_space<hbm>>) target(%arg9 : memref<80x128xi32, #tpu.memory_space<vmem>>) target_semaphore(%run_scoped3A : memref<!tpu.dma_semaphore, #tpu.memory_space<semaphore_mem>>)
      %dma_wait3A = arith.constant 0 : i32
      %dma_wait3A_20 = arith.constant 0 : i32
      %dma_wait3A_21 = tpu.memref_slice %arg4[%arg0, %arg1, %dma_wait3A, %dma_wait3A_20] : memref<2x16x80x128xi32, #tpu.memory_space<hbm>> -> memref<1x1x80x128xi32, #tpu.memory_space<hbm>>
      %dma_wait3A_22 = tpu.memref_squeeze %dma_wait3A_21 : memref<1x1x80x128xi32, #tpu.memory_space<hbm>> -> memref<80x128xi32, #tpu.memory_space<hbm>>
      %dma_wait3A_23 = arith.constant 0 : i32
      %dma_wait3A_24 = arith.constant 0 : i32
      %dma_wait3A_25 = tpu.memref_slice %arg4[%arg0, %arg1, %dma_wait3A_23, %dma_wait3A_24] : memref<2x16x80x128xi32, #tpu.memory_space<hbm>> -> memref<1x1x80x128xi32, #tpu.memory_space<hbm>>
      %dma_wait3A_26 = tpu.memref_squeeze %dma_wait3A_25 : memref<1x1x80x128xi32, #tpu.memory_space<hbm>> -> memref<80x128xi32, #tpu.memory_space<hbm>>
      tpu.wait_dma2 semaphore(%run_scoped3A : memref<!tpu.dma_semaphore, #tpu.memory_space<semaphore_mem>>) src(%dma_wait3A_26 : memref<80x128xi32, #tpu.memory_space<hbm>>) dst(%arg9 : memref<80x128xi32, #tpu.memory_space<vmem>>)
      tpu.yield
    }) : () -> ()
    "tpu.region"() ({
      %run_scoped3A = tpu.sem_alloc : memref<!tpu.dma_semaphore, #tpu.memory_space<semaphore_mem>>
      tpu.enqueue_dma source(%arg2 : memref<80x128xf32, #tpu.memory_space<hbm>>) target(%arg10 : memref<80x128xf32, #tpu.memory_space<vmem>>) target_semaphore(%run_scoped3A : memref<!tpu.dma_semaphore, #tpu.memory_space<semaphore_mem>>)
      tpu.wait_dma2 semaphore(%run_scoped3A : memref<!tpu.dma_semaphore, #tpu.memory_space<semaphore_mem>>) src(%arg2 : memref<80x128xf32, #tpu.memory_space<hbm>>) dst(%arg10 : memref<80x128xf32, #tpu.memory_space<vmem>>)
      tpu.yield
    }) : () -> ()
    %barrier3A = arith.constant 0 : index
    tpu.barrier barrier_id(%barrier3A)
    %scan3A = arith.constant 0 : i32
    %scan3A_3 = arith.constant 0 : i32
    %scan3A_4 = arith.constant 40 : i32
    %scan3A_5 = arith.addi %scan3A_3, %scan3A_4 : i32
    %scan3A_6 = arith.constant 1 : i32
    scf.for %scan3A_13 = %scan3A_3 to %scan3A_5 step %scan3A_6  : i32 {
      %mul3A_14 = arith.constant 2 : i32
      %mul3A_15 = arith.muli %scan3A_13, %mul3A_14 : i32
      %get3A = arith.index_cast %mul3A_15 : i32 to index
      %get3A_16 = arith.constant 0 : index
      %get3A_17 = tpu.vector_load %arg8[%get3A, %get3A_16] {strides = array<i32>} : memref<80x128xi32, #tpu.memory_space<vmem>>, vector<16xi32>,
      %shift_right_logical3A = arith.constant 7 : i32
      %shift_right_logical3A_18 = vector.broadcast %shift_right_logical3A : i32 to vector<16xi32>
      %shift_right_logical3A_19 = arith.shrui %get3A_17, %shift_right_logical3A_18 : vector<16xi32>
      %and3A = arith.constant 127 : i32
      %and3A_20 = vector.broadcast %and3A : i32 to vector<16xi32>
      %and3A_21 = arith.andi %get3A_17, %and3A_20 : vector<16xi32>
      %gather3A = tpu.vector_load_idx %arg10[%shift_right_logical3A_19, %and3A_21] : memref<80x128xf32, #tpu.memory_space<vmem>>[vector<16xi32>, vector<16xi32>], vector<16xf32>,
      %swap3A = arith.constant 0 : index
      %swap3A_22 = tpu.vector_load %arg11[%swap3A] {strides = array<i32>} : memref<128xf32, #tpu.memory_space<vmem>>, vector<16xf32>,
      tpu.vector_store %arg11[%swap3A], %gather3A {strides = array<i32>} : memref<128xf32, #tpu.memory_space<vmem>>, vector<16xf32>,
      %get3A_23 = arith.index_cast %mul3A_15 : i32 to index
      %get3A_24 = arith.constant 16 : index
      %get3A_25 = tpu.vector_load %arg8[%get3A_23, %get3A_24] {strides = array<i32>} : memref<80x128xi32, #tpu.memory_space<vmem>>, vector<16xi32>,
      %shift_right_logical3A_26 = arith.constant 7 : i32
      %shift_right_logical3A_27 = vector.broadcast %shift_right_logical3A_26 : i32 to vector<16xi32>
      %shift_right_logical3A_28 = arith.shrui %get3A_25, %shift_right_logical3A_27 : vector<16xi32>
      %and3A_29 = arith.constant 127 : i32
      %and3A_30 = vector.broadcast %and3A_29 : i32 to vector<16xi32>
      %and3A_31 = arith.andi %get3A_25, %and3A_30 : vector<16xi32>
      %gather3A_32 = tpu.vector_load_idx %arg10[%shift_right_logical3A_28, %and3A_31] : memref<80x128xf32, #tpu.memory_space<vmem>>[vector<16xi32>, vector<16xi32>], vector<16xf32>,
      %swap3A_33 = arith.constant 16 : index
      %swap3A_34 = tpu.vector_load %arg11[%swap3A_33] {strides = array<i32>} : memref<128xf32, #tpu.memory_space<vmem>>, vector<16xf32>,
      tpu.vector_store %arg11[%swap3A_33], %gather3A_32 {strides = array<i32>} : memref<128xf32, #tpu.memory_space<vmem>>, vector<16xf32>,
      %get3A_35 = arith.index_cast %mul3A_15 : i32 to index
      %get3A_36 = arith.constant 32 : index
      %get3A_37 = tpu.vector_load %arg8[%get3A_35, %get3A_36] {strides = array<i32>} : memref<80x128xi32, #tpu.memory_space<vmem>>, vector<16xi32>,
      %shift_right_logical3A_38 = arith.constant 7 : i32
      %shift_right_logical3A_39 = vector.broadcast %shift_right_logical3A_38 : i32 to vector<16xi32>
      %shift_right_logical3A_40 = arith.shrui %get3A_37, %shift_right_logical3A_39 : vector<16xi32>
      %and3A_41 = arith.constant 127 : i32
      %and3A_42 = vector.broadcast %and3A_41 : i32 to vector<16xi32>
      %and3A_43 = arith.andi %get3A_37, %and3A_42 : vector<16xi32>
      %gather3A_44 = tpu.vector_load_idx %arg10[%shift_right_logical3A_40, %and3A_43] : memref<80x128xf32, #tpu.memory_space<vmem>>[vector<16xi32>, vector<16xi32>], vector<16xf32>,
      %swap3A_45 = arith.constant 32 : index
      %swap3A_46 = tpu.vector_load %arg11[%swap3A_45] {strides = array<i32>} : memref<128xf32, #tpu.memory_space<vmem>>, vector<16xf32>,
      tpu.vector_store %arg11[%swap3A_45], %gather3A_44 {strides = array<i32>} : memref<128xf32, #tpu.memory_space<vmem>>, vector<16xf32>,
      %get3A_47 = arith.index_cast %mul3A_15 : i32 to index
      %get3A_48 = arith.constant 48 : index
      %get3A_49 = tpu.vector_load %arg8[%get3A_47, %get3A_48] {strides = array<i32>} : memref<80x128xi32, #tpu.memory_space<vmem>>, vector<16xi32>,
      %shift_right_logical3A_50 = arith.constant 7 : i32
      %shift_right_logical3A_51 = vector.broadcast %shift_right_logical3A_50 : i32 to vector<16xi32>
      %shift_right_logical3A_52 = arith.shrui %get3A_49, %shift_right_logical3A_51 : vector<16xi32>
      %and3A_53 = arith.constant 127 : i32
      %and3A_54 = vector.broadcast %and3A_53 : i32 to vector<16xi32>
      %and3A_55 = arith.andi %get3A_49, %and3A_54 : vector<16xi32>
      %gather3A_56 = tpu.vector_load_idx %arg10[%shift_right_logical3A_52, %and3A_55] : memref<80x128xf32, #tpu.memory_space<vmem>>[vector<16xi32>, vector<16xi32>], vector<16xf32>,
      %swap3A_57 = arith.constant 48 : index
      %swap3A_58 = tpu.vector_load %arg11[%swap3A_57] {strides = array<i32>} : memref<128xf32, #tpu.memory_space<vmem>>, vector<16xf32>,
      tpu.vector_store %arg11[%swap3A_57], %gather3A_56 {strides = array<i32>} : memref<128xf32, #tpu.memory_space<vmem>>, vector<16xf32>,
      %get3A_59 = arith.index_cast %mul3A_15 : i32 to index
      %get3A_60 = arith.constant 64 : index
      %get3A_61 = tpu.vector_load %arg8[%get3A_59, %get3A_60] {strides = array<i32>} : memref<80x128xi32, #tpu.memory_space<vmem>>, vector<16xi32>,
      %shift_right_logical3A_62 = arith.constant 7 : i32
      %shift_right_logical3A_63 = vector.broadcast %shift_right_logical3A_62 : i32 to vector<16xi32>
      %shift_right_logical3A_64 = arith.shrui %get3A_61, %shift_right_logical3A_63 : vector<16xi32>
      %and3A_65 = arith.constant 127 : i32
      %and3A_66 = vector.broadcast %and3A_65 : i32 to vector<16xi32>
      %and3A_67 = arith.andi %get3A_61, %and3A_66 : vector<16xi32>
      %gather3A_68 = tpu.vector_load_idx %arg10[%shift_right_logical3A_64, %and3A_67] : memref<80x128xf32, #tpu.memory_space<vmem>>[vector<16xi32>, vector<16xi32>], vector<16xf32>,
      %swap3A_69 = arith.constant 64 : index
      %swap3A_70 = tpu.vector_load %arg11[%swap3A_69] {strides = array<i32>} : memref<128xf32, #tpu.memory_space<vmem>>, vector<16xf32>,
      tpu.vector_store %arg11[%swap3A_69], %gather3A_68 {strides = array<i32>} : memref<128xf32, #tpu.memory_space<vmem>>, vector<16xf32>,
      %get3A_71 = arith.index_cast %mul3A_15 : i32 to index
      %get3A_72 = arith.constant 80 : index
      %get3A_73 = tpu.vector_load %arg8[%get3A_71, %get3A_72] {strides = array<i32>} : memref<80x128xi32, #tpu.memory_space<vmem>>, vector<16xi32>,
      %shift_right_logical3A_74 = arith.constant 7 : i32
      %shift_right_logical3A_75 = vector.broadcast %shift_right_logical3A_74 : i32 to vector<16xi32>
      %shift_right_logical3A_76 = arith.shrui %get3A_73, %shift_right_logical3A_75 : vector<16xi32>
      %and3A_77 = arith.constant 127 : i32
      %and3A_78 = vector.broadcast %and3A_77 : i32 to vector<16xi32>
      %and3A_79 = arith.andi %get3A_73, %and3A_78 : vector<16xi32>
      %gather3A_80 = tpu.vector_load_idx %arg10[%shift_right_logical3A_76, %and3A_79] : memref<80x128xf32, #tpu.memory_space<vmem>>[vector<16xi32>, vector<16xi32>], vector<16xf32>,
      %swap3A_81 = arith.constant 80 : index
      %swap3A_82 = tpu.vector_load %arg11[%swap3A_81] {strides = array<i32>} : memref<128xf32, #tpu.memory_space<vmem>>, vector<16xf32>,
      tpu.vector_store %arg11[%swap3A_81], %gather3A_80 {strides = array<i32>} : memref<128xf32, #tpu.memory_space<vmem>>, vector<16xf32>,
      %get3A_83 = arith.index_cast %mul3A_15 : i32 to index
      %get3A_84 = arith.constant 96 : index
      %get3A_85 = tpu.vector_load %arg8[%get3A_83, %get3A_84] {strides = array<i32>} : memref<80x128xi32, #tpu.memory_space<vmem>>, vector<16xi32>,
      %shift_right_logical3A_86 = arith.constant 7 : i32
      %shift_right_logical3A_87 = vector.broadcast %shift_right_logical3A_86 : i32 to vector<16xi32>
      %shift_right_logical3A_88 = arith.shrui %get3A_85, %shift_right_logical3A_87 : vector<16xi32>
      %and3A_89 = arith.constant 127 : i32
      %and3A_90 = vector.broadcast %and3A_89 : i32 to vector<16xi32>
      %and3A_91 = arith.andi %get3A_85, %and3A_90 : vector<16xi32>
      %gather3A_92 = tpu.vector_load_idx %arg10[%shift_right_logical3A_88, %and3A_91] : memref<80x128xf32, #tpu.memory_space<vmem>>[vector<16xi32>, vector<16xi32>], vector<16xf32>,
      %swap3A_93 = arith.constant 96 : index
      %swap3A_94 = tpu.vector_load %arg11[%swap3A_93] {strides = array<i32>} : memref<128xf32, #tpu.memory_space<vmem>>, vector<16xf32>,
      tpu.vector_store %arg11[%swap3A_93], %gather3A_92 {strides = array<i32>} : memref<128xf32, #tpu.memory_space<vmem>>, vector<16xf32>,
      %get3A_95 = arith.index_cast %mul3A_15 : i32 to index
      %get3A_96 = arith.constant 112 : index
      %get3A_97 = tpu.vector_load %arg8[%get3A_95, %get3A_96] {strides = array<i32>} : memref<80x128xi32, #tpu.memory_space<vmem>>, vector<16xi32>,
      %shift_right_logical3A_98 = arith.constant 7 : i32
      %shift_right_logical3A_99 = vector.broadcast %shift_right_logical3A_98 : i32 to vector<16xi32>
      %shift_right_logical3A_100 = arith.shrui %get3A_97, %shift_right_logical3A_99 : vector<16xi32>
      %and3A_101 = arith.constant 127 : i32
      %and3A_102 = vector.broadcast %and3A_101 : i32 to vector<16xi32>
      %and3A_103 = arith.andi %get3A_97, %and3A_102 : vector<16xi32>
      %gather3A_104 = tpu.vector_load_idx %arg10[%shift_right_logical3A_100, %and3A_103] : memref<80x128xf32, #tpu.memory_space<vmem>>[vector<16xi32>, vector<16xi32>], vector<16xf32>,
      %swap3A_105 = arith.constant 112 : index
      %swap3A_106 = tpu.vector_load %arg11[%swap3A_105] {strides = array<i32>} : memref<128xf32, #tpu.memory_space<vmem>>, vector<16xf32>,
      tpu.vector_store %arg11[%swap3A_105], %gather3A_104 {strides = array<i32>} : memref<128xf32, #tpu.memory_space<vmem>>, vector<16xf32>,
      %dma_start3A = arith.constant 0 : i32
      %dma_start3A_107 = tpu.memref_slice %arg9[%mul3A_15, %dma_start3A] : memref<80x128xi32, #tpu.memory_space<vmem>> -> memref<1x128xi32, #tpu.memory_space<vmem>>
      %dma_start3A_108 = tpu.memref_squeeze %dma_start3A_107 : memref<1x128xi32, #tpu.memory_space<vmem>> -> memref<128xi32, #tpu.memory_space<vmem>>
      %dma_start3A_109 = arith.constant 0 : i32
      %dma_start3A_110 = tpu.memref_slice %arg7[%dma_start3A_109] : memref<10240xf32, #tpu.memory_space<vmem_shared>> -> memref<10240xf32, #tpu.memory_space<vmem_shared>>
      tpu.enqueue_indirect_dma source(%arg11 : memref<128xf32, #tpu.memory_space<vmem>>) target(%dma_start3A_110 : memref<10240xf32, #tpu.memory_space<vmem_shared>>) offsets(%dma_start3A_108 : memref<128xi32, #tpu.memory_space<vmem>>) semaphore(%arg13 : memref<!tpu.dma_semaphore, #tpu.memory_space<semaphore_mem>>) {add = true}
      %add3A = arith.constant 1 : i32
      %add3A_111 = arith.addi %mul3A_15, %add3A : i32
      %get3A_112 = arith.index_cast %add3A_111 : i32 to index
      %get3A_113 = arith.constant 0 : index
      %get3A_114 = tpu.vector_load %arg8[%get3A_112, %get3A_113] {strides = array<i32>} : memref<80x128xi32, #tpu.memory_space<vmem>>, vector<16xi32>,
      %shift_right_logical3A_115 = arith.constant 7 : i32
      %shift_right_logical3A_116 = vector.broadcast %shift_right_logical3A_115 : i32 to vector<16xi32>
      %shift_right_logical3A_117 = arith.shrui %get3A_114, %shift_right_logical3A_116 : vector<16xi32>
      %and3A_118 = arith.constant 127 : i32
      %and3A_119 = vector.broadcast %and3A_118 : i32 to vector<16xi32>
      %and3A_120 = arith.andi %get3A_114, %and3A_119 : vector<16xi32>
      %gather3A_121 = tpu.vector_load_idx %arg10[%shift_right_logical3A_117, %and3A_120] : memref<80x128xf32, #tpu.memory_space<vmem>>[vector<16xi32>, vector<16xi32>], vector<16xf32>,
      %swap3A_122 = arith.constant 0 : index
      %swap3A_123 = tpu.vector_load %arg12[%swap3A_122] {strides = array<i32>} : memref<128xf32, #tpu.memory_space<vmem>>, vector<16xf32>,
      tpu.vector_store %arg12[%swap3A_122], %gather3A_121 {strides = array<i32>} : memref<128xf32, #tpu.memory_space<vmem>>, vector<16xf32>,
      %get3A_124 = arith.index_cast %add3A_111 : i32 to index
      %get3A_125 = arith.constant 16 : index
      %get3A_126 = tpu.vector_load %arg8[%get3A_124, %get3A_125] {strides = array<i32>} : memref<80x128xi32, #tpu.memory_space<vmem>>, vector<16xi32>,
      %shift_right_logical3A_127 = arith.constant 7 : i32
      %shift_right_logical3A_128 = vector.broadcast %shift_right_logical3A_127 : i32 to vector<16xi32>
      %shift_right_logical3A_129 = arith.shrui %get3A_126, %shift_right_logical3A_128 : vector<16xi32>
      %and3A_130 = arith.constant 127 : i32
      %and3A_131 = vector.broadcast %and3A_130 : i32 to vector<16xi32>
      %and3A_132 = arith.andi %get3A_126, %and3A_131 : vector<16xi32>
      %gather3A_133 = tpu.vector_load_idx %arg10[%shift_right_logical3A_129, %and3A_132] : memref<80x128xf32, #tpu.memory_space<vmem>>[vector<16xi32>, vector<16xi32>], vector<16xf32>,
      %swap3A_134 = arith.constant 16 : index
      %swap3A_135 = tpu.vector_load %arg12[%swap3A_134] {strides = array<i32>} : memref<128xf32, #tpu.memory_space<vmem>>, vector<16xf32>,
      tpu.vector_store %arg12[%swap3A_134], %gather3A_133 {strides = array<i32>} : memref<128xf32, #tpu.memory_space<vmem>>, vector<16xf32>,
      %get3A_136 = arith.index_cast %add3A_111 : i32 to index
      %get3A_137 = arith.constant 32 : index
      %get3A_138 = tpu.vector_load %arg8[%get3A_136, %get3A_137] {strides = array<i32>} : memref<80x128xi32, #tpu.memory_space<vmem>>, vector<16xi32>,
      %shift_right_logical3A_139 = arith.constant 7 : i32
      %shift_right_logical3A_140 = vector.broadcast %shift_right_logical3A_139 : i32 to vector<16xi32>
      %shift_right_logical3A_141 = arith.shrui %get3A_138, %shift_right_logical3A_140 : vector<16xi32>
      %and3A_142 = arith.constant 127 : i32
      %and3A_143 = vector.broadcast %and3A_142 : i32 to vector<16xi32>
      %and3A_144 = arith.andi %get3A_138, %and3A_143 : vector<16xi32>
      %gather3A_145 = tpu.vector_load_idx %arg10[%shift_right_logical3A_141, %and3A_144] : memref<80x128xf32, #tpu.memory_space<vmem>>[vector<16xi32>, vector<16xi32>], vector<16xf32>,
      %swap3A_146 = arith.constant 32 : index
      %swap3A_147 = tpu.vector_load %arg12[%swap3A_146] {strides = array<i32>} : memref<128xf32, #tpu.memory_space<vmem>>, vector<16xf32>,
      tpu.vector_store %arg12[%swap3A_146], %gather3A_145 {strides = array<i32>} : memref<128xf32, #tpu.memory_space<vmem>>, vector<16xf32>,
      %get3A_148 = arith.index_cast %add3A_111 : i32 to index
      %get3A_149 = arith.constant 48 : index
      %get3A_150 = tpu.vector_load %arg8[%get3A_148, %get3A_149] {strides = array<i32>} : memref<80x128xi32, #tpu.memory_space<vmem>>, vector<16xi32>,
      %shift_right_logical3A_151 = arith.constant 7 : i32
      %shift_right_logical3A_152 = vector.broadcast %shift_right_logical3A_151 : i32 to vector<16xi32>
      %shift_right_logical3A_153 = arith.shrui %get3A_150, %shift_right_logical3A_152 : vector<16xi32>
      %and3A_154 = arith.constant 127 : i32
      %and3A_155 = vector.broadcast %and3A_154 : i32 to vector<16xi32>
      %and3A_156 = arith.andi %get3A_150, %and3A_155 : vector<16xi32>
      %gather3A_157 = tpu.vector_load_idx %arg10[%shift_right_logical3A_153, %and3A_156] : memref<80x128xf32, #tpu.memory_space<vmem>>[vector<16xi32>, vector<16xi32>], vector<16xf32>,
      %swap3A_158 = arith.constant 48 : index
      %swap3A_159 = tpu.vector_load %arg12[%swap3A_158] {strides = array<i32>} : memref<128xf32, #tpu.memory_space<vmem>>, vector<16xf32>,
      tpu.vector_store %arg12[%swap3A_158], %gather3A_157 {strides = array<i32>} : memref<128xf32, #tpu.memory_space<vmem>>, vector<16xf32>,
      %get3A_160 = arith.index_cast %add3A_111 : i32 to index
      %get3A_161 = arith.constant 64 : index
      %get3A_162 = tpu.vector_load %arg8[%get3A_160, %get3A_161] {strides = array<i32>} : memref<80x128xi32, #tpu.memory_space<vmem>>, vector<16xi32>,
      %shift_right_logical3A_163 = arith.constant 7 : i32
      %shift_right_logical3A_164 = vector.broadcast %shift_right_logical3A_163 : i32 to vector<16xi32>
      %shift_right_logical3A_165 = arith.shrui %get3A_162, %shift_right_logical3A_164 : vector<16xi32>
      %and3A_166 = arith.constant 127 : i32
      %and3A_167 = vector.broadcast %and3A_166 : i32 to vector<16xi32>
      %and3A_168 = arith.andi %get3A_162, %and3A_167 : vector<16xi32>
      %gather3A_169 = tpu.vector_load_idx %arg10[%shift_right_logical3A_165, %and3A_168] : memref<80x128xf32, #tpu.memory_space<vmem>>[vector<16xi32>, vector<16xi32>], vector<16xf32>,
      %swap3A_170 = arith.constant 64 : index
      %swap3A_171 = tpu.vector_load %arg12[%swap3A_170] {strides = array<i32>} : memref<128xf32, #tpu.memory_space<vmem>>, vector<16xf32>,
      tpu.vector_store %arg12[%swap3A_170], %gather3A_169 {strides = array<i32>} : memref<128xf32, #tpu.memory_space<vmem>>, vector<16xf32>,
      %get3A_172 = arith.index_cast %add3A_111 : i32 to index
      %get3A_173 = arith.constant 80 : index
      %get3A_174 = tpu.vector_load %arg8[%get3A_172, %get3A_173] {strides = array<i32>} : memref<80x128xi32, #tpu.memory_space<vmem>>, vector<16xi32>,
      %shift_right_logical3A_175 = arith.constant 7 : i32
      %shift_right_logical3A_176 = vector.broadcast %shift_right_logical3A_175 : i32 to vector<16xi32>
      %shift_right_logical3A_177 = arith.shrui %get3A_174, %shift_right_logical3A_176 : vector<16xi32>
      %and3A_178 = arith.constant 127 : i32
      %and3A_179 = vector.broadcast %and3A_178 : i32 to vector<16xi32>
      %and3A_180 = arith.andi %get3A_174, %and3A_179 : vector<16xi32>
      %gather3A_181 = tpu.vector_load_idx %arg10[%shift_right_logical3A_177, %and3A_180] : memref<80x128xf32, #tpu.memory_space<vmem>>[vector<16xi32>, vector<16xi32>], vector<16xf32>,
      %swap3A_182 = arith.constant 80 : index
      %swap3A_183 = tpu.vector_load %arg12[%swap3A_182] {strides = array<i32>} : memref<128xf32, #tpu.memory_space<vmem>>, vector<16xf32>,
      tpu.vector_store %arg12[%swap3A_182], %gather3A_181 {strides = array<i32>} : memref<128xf32, #tpu.memory_space<vmem>>, vector<16xf32>,
      %get3A_184 = arith.index_cast %add3A_111 : i32 to index
      %get3A_185 = arith.constant 96 : index
      %get3A_186 = tpu.vector_load %arg8[%get3A_184, %get3A_185] {strides = array<i32>} : memref<80x128xi32, #tpu.memory_space<vmem>>, vector<16xi32>,
      %shift_right_logical3A_187 = arith.constant 7 : i32
      %shift_right_logical3A_188 = vector.broadcast %shift_right_logical3A_187 : i32 to vector<16xi32>
      %shift_right_logical3A_189 = arith.shrui %get3A_186, %shift_right_logical3A_188 : vector<16xi32>
      %and3A_190 = arith.constant 127 : i32
      %and3A_191 = vector.broadcast %and3A_190 : i32 to vector<16xi32>
      %and3A_192 = arith.andi %get3A_186, %and3A_191 : vector<16xi32>
      %gather3A_193 = tpu.vector_load_idx %arg10[%shift_right_logical3A_189, %and3A_192] : memref<80x128xf32, #tpu.memory_space<vmem>>[vector<16xi32>, vector<16xi32>], vector<16xf32>,
      %swap3A_194 = arith.constant 96 : index
      %swap3A_195 = tpu.vector_load %arg12[%swap3A_194] {strides = array<i32>} : memref<128xf32, #tpu.memory_space<vmem>>, vector<16xf32>,
      tpu.vector_store %arg12[%swap3A_194], %gather3A_193 {strides = array<i32>} : memref<128xf32, #tpu.memory_space<vmem>>, vector<16xf32>,
      %get3A_196 = arith.index_cast %add3A_111 : i32 to index
      %get3A_197 = arith.constant 112 : index
      %get3A_198 = tpu.vector_load %arg8[%get3A_196, %get3A_197] {strides = array<i32>} : memref<80x128xi32, #tpu.memory_space<vmem>>, vector<16xi32>,
      %shift_right_logical3A_199 = arith.constant 7 : i32
      %shift_right_logical3A_200 = vector.broadcast %shift_right_logical3A_199 : i32 to vector<16xi32>
      %shift_right_logical3A_201 = arith.shrui %get3A_198, %shift_right_logical3A_200 : vector<16xi32>
      %and3A_202 = arith.constant 127 : i32
      %and3A_203 = vector.broadcast %and3A_202 : i32 to vector<16xi32>
      %and3A_204 = arith.andi %get3A_198, %and3A_203 : vector<16xi32>
      %gather3A_205 = tpu.vector_load_idx %arg10[%shift_right_logical3A_201, %and3A_204] : memref<80x128xf32, #tpu.memory_space<vmem>>[vector<16xi32>, vector<16xi32>], vector<16xf32>,
      %swap3A_206 = arith.constant 112 : index
      %swap3A_207 = tpu.vector_load %arg12[%swap3A_206] {strides = array<i32>} : memref<128xf32, #tpu.memory_space<vmem>>, vector<16xf32>,
      tpu.vector_store %arg12[%swap3A_206], %gather3A_205 {strides = array<i32>} : memref<128xf32, #tpu.memory_space<vmem>>, vector<16xf32>,
      %add3A_208 = arith.constant 1 : i32
      %add3A_209 = arith.addi %mul3A_15, %add3A_208 : i32
      %dma_start3A_210 = arith.constant 0 : i32
      %dma_start3A_211 = tpu.memref_slice %arg9[%add3A_209, %dma_start3A_210] : memref<80x128xi32, #tpu.memory_space<vmem>> -> memref<1x128xi32, #tpu.memory_space<vmem>>
      %dma_start3A_212 = tpu.memref_squeeze %dma_start3A_211 : memref<1x128xi32, #tpu.memory_space<vmem>> -> memref<128xi32, #tpu.memory_space<vmem>>
      %dma_start3A_213 = arith.constant 0 : i32
      %dma_start3A_214 = tpu.memref_slice %arg7[%dma_start3A_213] : memref<10240xf32, #tpu.memory_space<vmem_shared>> -> memref<10240xf32, #tpu.memory_space<vmem_shared>>
      tpu.enqueue_indirect_dma source(%arg12 : memref<128xf32, #tpu.memory_space<vmem>>) target(%dma_start3A_214 : memref<10240xf32, #tpu.memory_space<vmem_shared>>) offsets(%dma_start3A_212 : memref<128xi32, #tpu.memory_space<vmem>>) semaphore(%arg14 : memref<!tpu.dma_semaphore, #tpu.memory_space<semaphore_mem>>) {add = true}
      %dma_wait3A = arith.constant 0 : i32
      %dma_wait3A_215 = tpu.memref_slice %arg9[%mul3A_15, %dma_wait3A] : memref<80x128xi32, #tpu.memory_space<vmem>> -> memref<1x128xi32, #tpu.memory_space<vmem>>
      %dma_wait3A_216 = tpu.memref_squeeze %dma_wait3A_215 : memref<1x128xi32, #tpu.memory_space<vmem>> -> memref<128xi32, #tpu.memory_space<vmem>>
      %dma_wait3A_217 = arith.constant 0 : i32
      %dma_wait3A_218 = tpu.memref_slice %arg7[%dma_wait3A_217] : memref<10240xf32, #tpu.memory_space<vmem_shared>> -> memref<10240xf32, #tpu.memory_space<vmem_shared>>
      tpu.wait_indirect_dma semaphore(%arg13 : memref<!tpu.dma_semaphore, #tpu.memory_space<semaphore_mem>>) src(%arg11 : memref<128xf32, #tpu.memory_space<vmem>>) dst(%dma_wait3A_218 : memref<10240xf32, #tpu.memory_space<vmem_shared>>)
      %dma_wait3A_219 = arith.constant 0 : i32
      %dma_wait3A_220 = tpu.memref_slice %arg9[%add3A_209, %dma_wait3A_219] : memref<80x128xi32, #tpu.memory_space<vmem>> -> memref<1x128xi32, #tpu.memory_space<vmem>>
      %dma_wait3A_221 = tpu.memref_squeeze %dma_wait3A_220 : memref<1x128xi32, #tpu.memory_space<vmem>> -> memref<128xi32, #tpu.memory_space<vmem>>
      %dma_wait3A_222 = arith.constant 0 : i32
      %dma_wait3A_223 = tpu.memref_slice %arg7[%dma_wait3A_222] : memref<10240xf32, #tpu.memory_space<vmem_shared>> -> memref<10240xf32, #tpu.memory_space<vmem_shared>>
      tpu.wait_indirect_dma semaphore(%arg14 : memref<!tpu.dma_semaphore, #tpu.memory_space<semaphore_mem>>) src(%arg12 : memref<128xf32, #tpu.memory_space<vmem>>) dst(%dma_wait3A_223 : memref<10240xf32, #tpu.memory_space<vmem_shared>>)
    }
    %scan3A_7 = arith.constant 40 : i32
    %barrier3A_8 = arith.constant 0 : index
    tpu.barrier barrier_id(%barrier3A_8)
    %mul3A_9 = arith.constant 640 : i32
    %mul3A_10 = arith.muli %arg1, %mul3A_9 : i32
    %mul3A_11 = arith.constant 640 : i32
    %mul3A_12 = arith.muli %arg1, %mul3A_11 : i32
    "tpu.region"() ({
      %run_scoped3A = tpu.sem_alloc : memref<!tpu.dma_semaphore, #tpu.memory_space<semaphore_mem>>
      %dma_start3A = tpu.memref_slice %arg6[%arg0, %mul3A_12] : memref<2x10240xf32, #tpu.memory_space<hbm>> -> memref<1x640xf32, #tpu.memory_space<hbm>>
      %dma_start3A_13 = tpu.memref_squeeze %dma_start3A : memref<1x640xf32, #tpu.memory_space<hbm>> -> memref<640xf32, #tpu.memory_space<hbm>>
      %dma_start3A_14 = tpu.memref_slice %arg7[%mul3A_10] : memref<10240xf32, #tpu.memory_space<vmem_shared>> -> memref<640xf32, #tpu.memory_space<vmem_shared>>
      tpu.enqueue_dma source(%dma_start3A_14 : memref<640xf32, #tpu.memory_space<vmem_shared>>) target(%dma_start3A_13 : memref<640xf32, #tpu.memory_space<hbm>>) target_semaphore(%run_scoped3A : memref<!tpu.dma_semaphore, #tpu.memory_space<semaphore_mem>>)
      %dma_wait3A = tpu.memref_slice %arg6[%arg0, %mul3A_12] : memref<2x10240xf32, #tpu.memory_space<hbm>> -> memref<1x640xf32, #tpu.memory_space<hbm>>
      %dma_wait3A_15 = tpu.memref_squeeze %dma_wait3A : memref<1x640xf32, #tpu.memory_space<hbm>> -> memref<640xf32, #tpu.memory_space<hbm>>
      %dma_wait3A_16 = tpu.memref_slice %arg7[%mul3A_10] : memref<10240xf32, #tpu.memory_space<vmem_shared>> -> memref<640xf32, #tpu.memory_space<vmem_shared>>
      tpu.wait_dma2 semaphore(%run_scoped3A : memref<!tpu.dma_semaphore, #tpu.memory_space<semaphore_mem>>) src(%dma_wait3A_16 : memref<640xf32, #tpu.memory_space<vmem_shared>>) dst(%dma_wait3A_15 : memref<640xf32, #tpu.memory_space<hbm>>)
      tpu.yield
    }) : () -> ()
    return
  }
}

module attributes {stable_mosaic.version = 14 : i64} {
  func.func @_g_body(%arg0: i32, %arg1: memref<512x128xf32, #tpu.memory_space<vmem>>, %arg2: memref<128x128xf32, #tpu.memory_space<vmem>>, %arg3: memref<512x2xf32, #tpu.memory_space<vmem>>, %arg4: memref<512x128xf32, #tpu.memory_space<vmem>>, %arg5: memref<512x1xf32, #tpu.memory_space<vmem>>) attributes {dimension_semantics = [#tpu.dimension_semantics<arbitrary>], iteration_bounds = array<i64: 20>, scalar_prefetch = 0 : i64, scratch_operands = 0 : i64, tpu.core_type = #tpu.core_type<tc>, window_params = [{transform_indices = @transform_0, window_bounds = array<i64: 512, 128>}, {pipeline_mode = #tpu.pipeline_mode<synchronous>, transform_indices = @transform_1, window_bounds = array<i64: 128, 128>}, {transform_indices = @transform_2, window_bounds = array<i64: 512, 2>}, {transform_indices = @transform_3, window_bounds = array<i64: 512, 128>}, {transform_indices = @transform_4, window_bounds = array<i64: 512, 1>}]} {
    %get3A = arith.constant 0 : index
    %get3A_0 = arith.constant 0 : index
    %get3A_1 = vector.load %arg3[%get3A, %get3A_0] : memref<512x2xf32, #tpu.memory_space<vmem>>, vector<512x1xf32>
    %get3A_2 = arith.constant 0 : index
    %get3A_3 = arith.constant 1 : index
    %get3A_4 = vector.load %arg3[%get3A_2, %get3A_3] : memref<512x2xf32, #tpu.memory_space<vmem>>, vector<512x1xf32>
    %add3A = arith.addf %get3A_1, %get3A_4 : vector<512x1xf32>
    %add3A_5 = arith.constant 1.000000e+00 : f32
    %add3A_6 = vector.broadcast %add3A_5 : f32 to vector<512x1xf32>
    %add3A_7 = arith.addf %add3A, %add3A_6 : vector<512x1xf32>
    %rsqrt3A = math.rsqrt %add3A_7 : vector<512x1xf32>
    %get3A_8 = arith.constant 0 : index
    %get3A_9 = arith.constant 0 : index
    %get3A_10 = vector.load %arg1[%get3A_8, %get3A_9] : memref<512x128xf32, #tpu.memory_space<vmem>>, vector<512x128xf32>
    %get3A_11 = arith.constant 0 : index
    %get3A_12 = arith.constant 0 : index
    %get3A_13 = vector.load %arg2[%get3A_11, %get3A_12] : memref<128x128xf32, #tpu.memory_space<vmem>>, vector<128x128xf32>
    %dot_general3A = arith.constant dense<0.000000e+00> : vector<512x128xf32>
    %dot_general3A_14 = tpu.matmul %get3A_10, %get3A_13, %dot_general3A {dimension_numbers = #tpu.dot_dimension_numbers<[1], [0], [0], [1], [0, 0, 1, 1], [], []>, transpose_lhs_hint = false} : vector<512x128xf32>, vector<128x128xf32>, vector<512x128xf32> -> vector<512x128xf32>
    %mul3A = vector.broadcast %rsqrt3A : vector<512x1xf32> to vector<512x128xf32>
    %mul3A_15 = arith.mulf %mul3A, %dot_general3A_14 : vector<512x128xf32>
    %swap3A = arith.constant 0 : index
    %swap3A_16 = arith.constant 0 : index
    %swap3A_17 = vector.load %arg4[%swap3A, %swap3A_16] : memref<512x128xf32, #tpu.memory_space<vmem>>, vector<512x128xf32>
    tpu.vector_store %arg4[%swap3A, %swap3A_16], %mul3A_15 {strides = array<i32>} : memref<512x128xf32, #tpu.memory_space<vmem>>, vector<512x128xf32>,
    %swap3A_18 = arith.constant 0 : index
    %swap3A_19 = arith.constant 0 : index
    %swap3A_20 = vector.load %arg5[%swap3A_18, %swap3A_19] : memref<512x1xf32, #tpu.memory_space<vmem>>, vector<512x1xf32>
    tpu.vector_store %arg5[%swap3A_18, %swap3A_19], %rsqrt3A {strides = array<i32>} : memref<512x1xf32, #tpu.memory_space<vmem>>, vector<512x1xf32>,
    return
  }
  func.func @transform_0(%arg0: i32) -> (i32, i32) {
    %c0_i32 = arith.constant 0 : i32
    %c0_i32_0 = arith.constant 0 : i32
    return %arg0, %c0_i32 : i32, i32
  }
  func.func @transform_1(%arg0: i32) -> (i32, i32) {
    %c0_i32 = arith.constant 0 : i32
    %c0_i32_0 = arith.constant 0 : i32
    %c0_i32_1 = arith.constant 0 : i32
    return %c0_i32, %c0_i32_0 : i32, i32
  }
  func.func @transform_2(%arg0: i32) -> (i32, i32) {
    %c0_i32 = arith.constant 0 : i32
    %c0_i32_0 = arith.constant 0 : i32
    return %arg0, %c0_i32 : i32, i32
  }
  func.func @transform_3(%arg0: i32) -> (i32, i32) {
    %c0_i32 = arith.constant 0 : i32
    %c0_i32_0 = arith.constant 0 : i32
    return %arg0, %c0_i32 : i32, i32
  }
  func.func @transform_4(%arg0: i32) -> (i32, i32) {
    %c0_i32 = arith.constant 0 : i32
    %c0_i32_0 = arith.constant 0 : i32
    return %arg0, %c0_i32 : i32, i32
  }
}

module attributes {stable_mosaic.version = 14 : i64} {
  func.func @_l4_body(%arg0: i32, %arg1: memref<2x512x128xf32, #tpu.memory_space<vmem>>, %arg2: memref<512x128xf32, #tpu.memory_space<vmem>>, %arg3: memref<512x1xf32, #tpu.memory_space<vmem>>, %arg4: memref<128x1xf32, #tpu.memory_space<vmem>>, %arg5: memref<1x128xf32, #tpu.memory_space<vmem>>, %arg6: memref<512x1xf32, #tpu.memory_space<vmem>>) attributes {dimension_semantics = [#tpu.dimension_semantics<arbitrary>], iteration_bounds = array<i64: 20>, scalar_prefetch = 0 : i64, scratch_operands = 0 : i64, tpu.core_type = #tpu.core_type<tc>, window_params = [{transform_indices = @transform_0, window_bounds = array<i64: 2, 512, 128>}, {transform_indices = @transform_1, window_bounds = array<i64: 512, 128>}, {transform_indices = @transform_2, window_bounds = array<i64: 512, 1>}, {pipeline_mode = #tpu.pipeline_mode<synchronous>, transform_indices = @transform_3, window_bounds = array<i64: 128, 1>}, {pipeline_mode = #tpu.pipeline_mode<synchronous>, transform_indices = @transform_4, window_bounds = array<i64: 1, 128>}, {transform_indices = @transform_5, window_bounds = array<i64: 512, 1>}]} {
    %get3A = arith.constant 0 : index
    %get3A_0 = arith.constant 0 : index
    %get3A_1 = vector.load %arg3[%get3A, %get3A_0] : memref<512x1xf32, #tpu.memory_space<vmem>>, vector<512x1xf32>
    %get3A_2 = arith.constant 0 : index
    %get3A_3 = arith.constant 0 : index
    %get3A_4 = arith.constant 0 : index
    %get3A_5 = vector.load %arg1[%get3A_2, %get3A_3, %get3A_4] : memref<2x512x128xf32, #tpu.memory_space<vmem>>, vector<1x512x128xf32>
    %get3A_6 = vector.shape_cast %get3A_5 : vector<1x512x128xf32> to vector<512x128xf32>
    %get3A_7 = arith.constant 1 : index
    %get3A_8 = arith.constant 0 : index
    %get3A_9 = arith.constant 0 : index
    %get3A_10 = vector.load %arg1[%get3A_7, %get3A_8, %get3A_9] : memref<2x512x128xf32, #tpu.memory_space<vmem>>, vector<1x512x128xf32>
    %get3A_11 = vector.shape_cast %get3A_10 : vector<1x512x128xf32> to vector<512x128xf32>
    %add3A = arith.addf %get3A_6, %get3A_11 : vector<512x128xf32>
    %get3A_12 = arith.constant 0 : index
    %get3A_13 = arith.constant 0 : index
    %get3A_14 = vector.load %arg2[%get3A_12, %get3A_13] : memref<512x128xf32, #tpu.memory_space<vmem>>, vector<512x128xf32>
    %add3A_15 = arith.addf %add3A, %get3A_14 : vector<512x128xf32>
    %mul3A = vector.broadcast %get3A_1 : vector<512x1xf32> to vector<512x128xf32>
    %mul3A_16 = arith.mulf %mul3A, %add3A_15 : vector<512x128xf32>
    %get3A_17 = arith.constant 0 : index
    %get3A_18 = arith.constant 0 : index
    %get3A_19 = vector.load %arg5[%get3A_17, %get3A_18] : memref<1x128xf32, #tpu.memory_space<vmem>>, vector<1x128xf32>
    %add3A_20 = vector.broadcast %get3A_19 : vector<1x128xf32> to vector<512x128xf32>
    %add3A_21 = arith.addf %mul3A_16, %add3A_20 : vector<512x128xf32>
    %max3A = arith.constant 0.000000e+00 : f32
    %max3A_22 = vector.broadcast %max3A : f32 to vector<512x128xf32>
    %max3A_23 = arith.maximumf %add3A_21, %max3A_22 : vector<512x128xf32>
    %get3A_24 = arith.constant 0 : index
    %get3A_25 = arith.constant 0 : index
    %get3A_26 = vector.load %arg4[%get3A_24, %get3A_25] : memref<128x1xf32, #tpu.memory_space<vmem>>, vector<128x1xf32>
    %dot_general3A = arith.constant dense<0.000000e+00> : vector<512x1xf32>
    %dot_general3A_27 = tpu.matmul %max3A_23, %get3A_26, %dot_general3A {dimension_numbers = #tpu.dot_dimension_numbers<[1], [0], [0], [1], [0, 0, 1, 1], [], []>, transpose_lhs_hint = false} : vector<512x128xf32>, vector<128x1xf32>, vector<512x1xf32> -> vector<512x1xf32>
    %mul3A_28 = arith.mulf %get3A_1, %dot_general3A_27 : vector<512x1xf32>
    %swap3A = arith.constant 0 : index
    %swap3A_29 = arith.constant 0 : index
    %swap3A_30 = vector.load %arg6[%swap3A, %swap3A_29] : memref<512x1xf32, #tpu.memory_space<vmem>>, vector<512x1xf32>
    tpu.vector_store %arg6[%swap3A, %swap3A_29], %mul3A_28 {strides = array<i32>} : memref<512x1xf32, #tpu.memory_space<vmem>>, vector<512x1xf32>,
    return
  }
  func.func @transform_0(%arg0: i32) -> (i32, i32, i32) {
    %c0_i32 = arith.constant 0 : i32
    %c0_i32_0 = arith.constant 0 : i32
    %c0_i32_1 = arith.constant 0 : i32
    return %c0_i32, %arg0, %c0_i32_0 : i32, i32, i32
  }
  func.func @transform_1(%arg0: i32) -> (i32, i32) {
    %c0_i32 = arith.constant 0 : i32
    %c0_i32_0 = arith.constant 0 : i32
    return %arg0, %c0_i32 : i32, i32
  }
  func.func @transform_2(%arg0: i32) -> (i32, i32) {
    %c0_i32 = arith.constant 0 : i32
    %c0_i32_0 = arith.constant 0 : i32
    return %arg0, %c0_i32 : i32, i32
  }
  func.func @transform_3(%arg0: i32) -> (i32, i32) {
    %c0_i32 = arith.constant 0 : i32
    %c0_i32_0 = arith.constant 0 : i32
    %c0_i32_1 = arith.constant 0 : i32
    return %c0_i32, %c0_i32_0 : i32, i32
  }
  func.func @transform_4(%arg0: i32) -> (i32, i32) {
    %c0_i32 = arith.constant 0 : i32
    %c0_i32_0 = arith.constant 0 : i32
    %c0_i32_1 = arith.constant 0 : i32
    return %c0_i32, %c0_i32_0 : i32, i32
  }
  func.func @transform_5(%arg0: i32) -> (i32, i32) {
    %c0_i32 = arith.constant 0 : i32
    %c0_i32_0 = arith.constant 0 : i32
    return %arg0, %c0_i32 : i32, i32
  }
}

module attributes {stable_mosaic.version = 14 : i64} {
  func.func @_l6_body(%arg0: i32, %arg1: memref<512x2xf32, #tpu.memory_space<vmem>>, %arg2: memref<512x1xf32, #tpu.memory_space<vmem>>, %arg3: memref<512x1xf32, #tpu.memory_space<vmem>>, %arg4: memref<1x1xf32, #tpu.memory_space<vmem>>, %arg5: memref<512x1xf32, #tpu.memory_space<vmem>>) attributes {dimension_semantics = [#tpu.dimension_semantics<arbitrary>], iteration_bounds = array<i64: 20>, scalar_prefetch = 0 : i64, scratch_operands = 0 : i64, tpu.core_type = #tpu.core_type<tc>, window_params = [{transform_indices = @transform_0, window_bounds = array<i64: 512, 2>}, {transform_indices = @transform_1, window_bounds = array<i64: 512, 1>}, {transform_indices = @transform_2, window_bounds = array<i64: 512, 1>}, {pipeline_mode = #tpu.pipeline_mode<synchronous>, transform_indices = @transform_3, window_bounds = array<i64: 1, 1>}, {transform_indices = @transform_4, window_bounds = array<i64: 512, 1>}]} {
    %get3A = arith.constant 0 : index
    %get3A_0 = arith.constant 0 : index
    %get3A_1 = vector.load %arg1[%get3A, %get3A_0] : memref<512x2xf32, #tpu.memory_space<vmem>>, vector<512x1xf32>
    %get3A_2 = arith.constant 0 : index
    %get3A_3 = arith.constant 1 : index
    %get3A_4 = vector.load %arg1[%get3A_2, %get3A_3] : memref<512x2xf32, #tpu.memory_space<vmem>>, vector<512x1xf32>
    %add3A = arith.addf %get3A_1, %get3A_4 : vector<512x1xf32>
    %get3A_5 = arith.constant 0 : index
    %get3A_6 = arith.constant 0 : index
    %get3A_7 = vector.load %arg4[%get3A_5, %get3A_6] : memref<1x1xf32, #tpu.memory_space<vmem>>, vector<1x1xf32>
    %get3A_8 = arith.constant 0 : index
    %get3A_9 = arith.constant 0 : index
    %get3A_10 = vector.load %arg2[%get3A_8, %get3A_9] : memref<512x1xf32, #tpu.memory_space<vmem>>, vector<512x1xf32>
    %get3A_11 = arith.constant 0 : index
    %get3A_12 = arith.constant 0 : index
    %get3A_13 = vector.load %arg3[%get3A_11, %get3A_12] : memref<512x1xf32, #tpu.memory_space<vmem>>, vector<512x1xf32>
    %add3A_14 = arith.addf %add3A, %get3A_13 : vector<512x1xf32>
    %mul3A = arith.mulf %get3A_10, %add3A_14 : vector<512x1xf32>
    %add3A_15 = vector.broadcast %get3A_7 : vector<1x1xf32> to vector<512x1xf32>
    %add3A_16 = arith.addf %add3A_15, %mul3A : vector<512x1xf32>
    %swap3A = arith.constant 0 : index
    %swap3A_17 = arith.constant 0 : index
    %swap3A_18 = vector.load %arg5[%swap3A, %swap3A_17] : memref<512x1xf32, #tpu.memory_space<vmem>>, vector<512x1xf32>
    tpu.vector_store %arg5[%swap3A, %swap3A_17], %add3A_16 {strides = array<i32>} : memref<512x1xf32, #tpu.memory_space<vmem>>, vector<512x1xf32>,
    return
  }
  func.func @transform_0(%arg0: i32) -> (i32, i32) {
    %c0_i32 = arith.constant 0 : i32
    %c0_i32_0 = arith.constant 0 : i32
    return %arg0, %c0_i32 : i32, i32
  }
  func.func @transform_1(%arg0: i32) -> (i32, i32) {
    %c0_i32 = arith.constant 0 : i32
    %c0_i32_0 = arith.constant 0 : i32
    return %arg0, %c0_i32 : i32, i32
  }
  func.func @transform_2(%arg0: i32) -> (i32, i32) {
    %c0_i32 = arith.constant 0 : i32
    %c0_i32_0 = arith.constant 0 : i32
    return %arg0, %c0_i32 : i32, i32
  }
  func.func @transform_3(%arg0: i32) -> (i32, i32) {
    %c0_i32 = arith.constant 0 : i32
    %c0_i32_0 = arith.constant 0 : i32
    %c0_i32_1 = arith.constant 0 : i32
    return %c0_i32, %c0_i32_0 : i32, i32
  }
  func.func @transform_4(%arg0: i32) -> (i32, i32) {
    %c0_i32 = arith.constant 0 : i32
    %c0_i32_0 = arith.constant 0 : i32
    return %arg0, %c0_i32 : i32, i32
  }
}

</mosaic_0001>

<sc_bundles>
// kernel: kernel.11.cloned.1.call-start
scs
__scs_entry_jumppad:
0x0: {  	(pc) =	sbr.rel $0x88, $3  }
0x1: {  	(tag) =	ssettag $0x0;
	lr =	simm.s32 $0x1  }
0x2: {  	[smem:$0x3F9B] =	sst lr;
	_ =	strace $0xD0000000  }
0x3: {  	_ = 	snop  }
0x4: {  	_ = 	snop  }
0x5: {  	_ = 	snop  }
0x6: {  	_ = 	snop  }
0x7: {  	_ = 	snop  }
__scs_overlays_trampoline_lowered:
0x8: {  	[smem:$0x3FAA] =	sst s0  }
0x9: {  	[smem:$0x3FAB] =	sst s1  }
0xa: {  	[smem:$0x3FAC] =	sst s2  }
0xb: {  	[smem:$0x3FAD] =	sst s3  }
0xc: {  	[smem:$0x3FAE] =	sst s4  }
0xd: {  	[smem:$0x3FAF] =	sst s5  }
0xe: {  	[smem:$0x3FB0] =	sst s6  }
0xf: {  	[smem:$0x3FB1] =	sst s7  }
0x10: {  	[smem:$0x3FB2] =	sst s8  }
0x11: {  	[smem:$0x3FB3] =	sst s9;
	s0 =	simm.s32 @!p0 $0x0  }
0x12: {  	s1 =	sld [smem:$0x3F99];
	s0 =	simm.s32 @p0 $0x1  }
0x13: {  	[smem:$0x3FB4] =	sst s0;
	s0 =	simm.s32 @!p1 $0x0  }
0x14: {  	s2 =	sld [smem:$0x3F98];
	s0 =	simm.s32 @p1 $0x1  }
0x15: {  	[smem:$0x3FB5] =	sst s0;
	s0 =	simm.s32 @!p2 $0x0  }
0x16: {  	s3 =	sld [smem:$0x3FDB];
	s0 =	simm.s32 @p2 $0x1  }
0x17: {  	s4 =	simm.s32 $0x1BF5;
	[smem:$0x3FB7] =	sst s0  }
0x18: {  	s0 =	sld [smem:$0x3F9A];
	_ =	swait.ge [sflag:s4], $0x0  }
0x19: {  	s7 =	sld [smem:$0x3F9B]  }
0x1a: {  	s8 =	sadd.s32 $0xFFFFE003, lr  }
0x1b: {  	s9 =	sadd.s32 $0xFFFFFEF7, lr;
	s5 =	simm.s32 $0xFFFFFFFF;
	p2 =	slt.u32 s8, $0xFFFFF086  }
0x1c: {  	p1 =	slt.u32 s9, $0xF7A;
	s5 =	simm.s32 @!p2 $0x0  }
0x1d: {  	s5 =	simm.s32 @p1 $0x1;
	p0 =	seq.s32 s7, s2  }
0x1e: {  	s7 =	smul.u32 @!p0 $0xF7A, s2;
	p2 =	seq.s32 @!p0 s5, $0x0  }
0x1f: {  	s9 =	smul.u32 $0xF7A, s1;
	s8 =	simm.s32 @!p0 $0x1BF5;
	p2 =	por !p2, p0  }
0x20: {  	[sflag:s8] =	ssyncset.s32 @!p0 $0xFFFFF086;
	s6 =	sadd.s32 @!p0 s3, s7;
	s7 =	simm.s32 @!p0 $0x108  }
0x21: {  	s3 =	sadd.s32 s3, s9;
	s6 =	sadd.s32 @!p0 $0x88, s6;
	s7 =	simm.s32 @p2 $0x1082  }
0x22: {  	[simem:s7], [sflag:s8] =	dma.local @!p0 [hbm:s6], $0xF7A  }
0x23: {  	s9 =	sor.u32 $0xD0000000, s2;
	s6 =	simm.s32 $0x108;
	_ =	swait.ge @!p0 [sflag:s8], $0x0  }
0x24: {  	s3 =	sadd.s32 $0x88, s3;
	s6 =	simm.s32 @!p1 $0x1082;
	[sflag:s4] =	ssyncset.s32 $0xFFFFF086  }
0x25: {  	[simem:s6], [sflag:s4] =	dma.local [hbm:s3], $0xF7A  }
0x26: {  	[smem:$0x3F9B] =	sst s1;
	(tag) =	ssettag s2;
	_ =	strace s9  }
0x27: {  	s1 =	sld [smem:$0x3FAB]  }
0x28: {  	s2 =	sld [smem:$0x3FAC]  }
0x29: {  	s4 =	sld [smem:$0x3FAE]  }
0x2a: {  	p0 =	seq.s32 s5, $0x0;
	s5 =	sld [smem:$0x3FAF]  }
0x2b: {  	s6 =	sld [smem:$0x3FB0]  }
0x2c: {  	s7 =	sld [smem:$0x3FB1]  }
0x2d: {  	s3 =	simm.s32 $0x108;
	s8 =	sld [smem:$0x3FB2]  }
0x2e: {  	s3 =	simm.s32 @!p0 $0x1082;
	s9 =	sld [smem:$0x3FB3]  }
0x2f: {  	lr =	sadd.s32 s0, s3;
	s0 =	sld [smem:$0x3FAA]  }
0x30: {  	s3 =	sld [smem:$0x3FAD]  }
0x31: {  	[smem:$0x3FB6] =	sst s10  }
0x32: {  	s10 =	sld [smem:$0x3FB4];
	_ =	sdelay $0x3  }
0x33: {  	p0 =	seq.s32 s10, $0x1;
	s10 =	sld [smem:$0x3FB6];
	_ =	sdelay $0x3  }
0x34: {  	[smem:$0x3FB6] =	sst s10  }
0x35: {  	s10 =	sld [smem:$0x3FB5];
	_ =	sdelay $0x3  }
0x36: {  	p1 =	seq.s32 s10, $0x1;
	s10 =	sld [smem:$0x3FB6];
	_ =	sdelay $0x3  }
0x37: {  	[smem:$0x3FB6] =	sst s10  }
0x38: {  	s10 =	sld [smem:$0x3FB7]  }
0x39: {  	_ = 	snop;
	(pc) =	sbr.ind lr, $3  }
0x3a: {  	_ = 	snop  }
0x3b: {  	_ = 	snop  }
0x3c: {  	p2 =	seq.s32 s10, $0x1;
	s10 =	sld [smem:$0x3FB6]  }
0x3d: {  	_ =	shalt  }
0x3e: {  	_ =	shalt  }
0x3f: {  	_ =	shalt  }
0x40: {  	_ =	shalt  }
0x41: {  	_ =	shalt  }
0x42: {  	_ =	shalt  }
0x43: {  	_ =	shalt  }
0x44: {  	_ =	shalt  }
0x45: {  	_ =	shalt  }
0x46: {  	_ =	shalt  }
0x47: {  	_ =	shalt  }
0x48: {  	_ =	shalt  }
0x49: {  	_ =	shalt  }
0x4a: {  	_ =	shalt  }
0x4b: {  	_ =	shalt  }
0x4c: {  	_ =	shalt  }
0x4d: {  	_ =	shalt  }
0x4e: {  	_ =	shalt  }
0x4f: {  	_ =	shalt  }
0x50: {  	_ =	shalt  }
0x51: {  	_ =	shalt  }
0x52: {  	_ =	shalt  }
0x53: {  	_ =	shalt  }
0x54: {  	_ =	shalt  }
0x55: {  	_ =	shalt  }
0x56: {  	_ =	shalt  }
0x57: {  	_ =	shalt  }
0x58: {  	_ =	shalt  }
0x59: {  	_ =	shalt  }
0x5a: {  	_ =	shalt  }
0x5b: {  	_ =	shalt  }
0x5c: {  	_ =	shalt  }
0x5d: {  	_ =	shalt  }
0x5e: {  	_ =	shalt  }
0x5f: {  	_ =	shalt  }
0x60: {  	_ =	shalt  }
0x61: {  	_ =	shalt  }
0x62: {  	_ =	shalt  }
0x63: {  	_ =	shalt  }
0x64: {  	_ =	shalt  }
0x65: {  	_ =	shalt  }
0x66: {  	_ =	shalt  }
0x67: {  	_ =	shalt  }
0x68: {  	_ =	shalt  }
0x69: {  	_ =	shalt  }
0x6a: {  	_ =	shalt  }
0x6b: {  	_ =	shalt  }
0x6c: {  	_ =	shalt  }
0x6d: {  	_ =	shalt  }
0x6e: {  	_ =	shalt  }
0x6f: {  	_ =	shalt  }
0x70: {  	_ =	shalt  }
0x71: {  	_ =	shalt  }
0x72: {  	_ =	shalt  }
0x73: {  	_ =	shalt  }
0x74: {  	_ =	shalt  }
0x75: {  	_ =	shalt  }
0x76: {  	_ =	shalt  }
0x77: {  	_ =	shalt  }
0x78: {  	_ =	shalt  }
0x79: {  	_ =	shalt  }
0x7a: {  	_ =	shalt  }
0x7b: {  	_ =	shalt  }
0x7c: {  	_ =	shalt  }
0x7d: {  	_ =	shalt  }
0x7e: {  	_ =	shalt  }
0x7f: {  	_ =	shalt  }
0x80: {  	_ =	shalt  }
0x81: {  	_ =	shalt  }
0x82: {  	_ =	shalt  }
0x83: {  	_ =	shalt  }
0x84: {  	_ =	shalt  }
0x85: {  	_ =	shalt  }
0x86: {  	_ =	shalt  }
0x87: {  	_ =	shalt  }
.Lfunc_end0:
.L_simem_size_0:
called_computation.1_lowered:
.L_overlay_start_0:
0x88: {  	s2 =	sld [smem:$0x3FD9]  }
0x89: {  	s3 =	sld [smem:$0x3FFE];
	_ =	sdelay $0x1  }
0x8a: {  	s1 =	srdreg.scid  }
0x8b: {  	s0 =	sand.u32 $0x1, s1  }
0x8c: {  	s16 =	sshll.u32 s0, $0xA;
	s2 =	sadd.s32 s3, s2  }
0x8d: {  	s2 =	sadd.s32 s2, s16  }
0x8e: {  	[smem:$0x3FC2] =	sst s2  }
0x8f: {  	_ = 	snop  }
0x90: {  	(tm) =	ssettm $0x1  }
0x91: {  	s17 =	sld [smem:$0x3FFB];
	_ =	sdelay $0x3  }
0x92: {  	_ =	strace s17  }
0x93: {  	s2 =	sld [smem:$0x3FFC];
	_ =	sdelay $0x3  }
0x94: {  	_ =	strace s2  }
0x95: {  	s2 =	sld [smem:$0x3FFD];
	_ =	sdelay $0x3  }
0x96: {  	_ =	strace s2  }
0x97: {  	_ =	strace $0x8FFFFFFF  }
0x98: {  	s18 =	sld [smem:$0x3FDB];
	_ =	sdelay $0x1  }
0x99: {  	s19 =	simm.s32 $_scs_section_size  }
0x9a: {  	s4 =	simm.s32 $_size__tile_overlayer_lowered;
	s5 =	simm.s32 $_tile_overlayer_lowered  }
0x9b: {  	s22 =	simm.s32 $0x1BFF;
	s21 =	sshll.u32 s5, $0x1;
	s2 =	sadd.s32 s19, s18  }
0x9c: {  	s6 =	simm.s32 $0x0;
	s20 =	sshll.u32 s4, $0x1;
	s4 =	sadd.s32 s21, s2  }
0x9d: {  	[timem:s6], [sflag:s22] =	dma.local [hbm:s4], s20  }
0x9e: {  	_ =	swait.ge [sflag:s22], s20  }
0x9f: {  	s3 =	ssub.s32 $0x0, s20;
	[sflag:s22] =	ssyncset.done $0x0  }
0xa0: {  	[sflag:s22] =	ssyncadd.s32 s3;
	_ =	sdelay $0x1  }
0xa1: {  	s23 =	simm.s32 $0x1B8B  }
0xa2: {  	_ =	swait.ge [sflag:s23], $0x1  }
0xa3: {  	[sflag:s23] =	ssyncset.done $0x0  }
0xa4: {  	s25 =	simm.s32 $0x1B8E;
	s24 =	sld [smem:$0x3FFE];
	[sflag:s23] =	ssyncadd.s32 $0xFFFFFFFF  }
0xa5: {  	s26 =	simm.s32 $execute0_lowered;
	[smem:$0x3FD2] =	sst s25  }
0xa6: {  	s4 =	sshll.u32 s26, $0x1;
	_ =	strace $0x80000049;
	[dreg:$0x1] =	wrdreg $0xFFFFFFFF  }
0xa7: {  	s28 =	simm.s32 $_size_execute0_lowered;
	s2 =	sadd.s32 s2, s4;
	[dreg:$0x0] =	wrdreg $0x0  }
0xa8: {  	s4 =	sshll.u32 s28, $0x1;
	[dreg:$0x2] =	wrdreg s2  }
0xa9: {  	[dreg:$0x3] =	wrdreg s4  }
0xaa: {  	[dreg:$0x4] =	wrdreg $0xC0  }
0xab: {  	_ =	task [dreg:s6], $0x5FFFF  }
0xac: {  	[dreg:$0x1] =	wrdreg $0xFFFFFFFF  }
0xad: {  	[dreg:$0x0] =	wrdreg $0x60  }
0xae: {  	[dreg:$0x2] =	wrdreg s24  }
0xaf: {  	[dreg:$0x3] =	wrdreg $0x0  }
0xb0: {  	[dreg:$0x4] =	wrdreg $0x9  }
0xb1: {  	_ =	task.clear_ibuf [dreg:s6], $0x5FFFF;
	_ =	strace $0x90000049  }
0xb2: {  	s29 =	simm.s32 $0x9;
	_ =	strace $0x8000004B  }
0xb3: {  	_ =	swait.ge [sflag:s29], $0x1  }
0xb4: {  	[sflag:s29] =	ssyncadd.s32 $0xFFFFFFFF  }
0xb5: {  	_ =	strace $0x9000004B  }
0xb6: {  	_ =	sfence  }
0xb7: {  	s30 =	sld [smem:$0x0];
	_ =	sdelay $0x2  }
0xb8: {  	s31 =	sshll.u32 s1, $0xD;
	s1 =	sshrl.u32 s1, $0x2  }
0xb9: {  	s3 =	sand.u32 $0x4000, s31;
	s1 =	sadd.s32 s1, s30  }
0xba: {  	s0 =	sor.u32 s3, s0;
	s1 =	sshll.u32 s1, $0x11  }
0xbb: {  	s0 =	sor.u32 s1, s0  }
0xbc: {  	s0 =	sadd.s32 $0x8F2B, s0  }
0xbd: {  	[sflag:s0] =	ssyncadd.remote.s32 $0x1  }
0xbe: {  	_ =	sfence.sel $0xFFFF  }
0xbf: {  	[dreg:$0x0] =	wrdreg $0xFFFFFFFF;
	(pc) =	sbr.abs _section_cstart, $3  }
0xc0: {  	[dreg:$0x1] =	wrdreg $0xFFFFFFFF  }
0xc1: {  	_ =	task.clear_ibuf [dreg:s6], $0x2FFFF;
	_ =	strace $0x9FFFFFFF  }
0xc2: {  	(tm) =	ssettm $0x7FFFFFFF  }
0xc3: {  	_ =	shalt  }
tec
execute0_lowered:
.L_overlay_start_1:
0x0: {  	(tag) =	ssettag $0x1  }
0x1: {  	s6 =	rddreg [dreg:$0x0]  }
0x2: {  	s0 =	srdreg.scid;
	s2 =	rddreg [dreg:$0x1]  }
0x3: {  	s3 =	simm.s32 $0x0;
	s14 =	simm.s32 $0x16800;
	s15 =	simm.s32 $0x80  }
0x4: {  	s16 =	simm.s32 $0x19000;
	s5 =	sand.u32 $0x1, s0;
	s0 =	stileid.u32  }
0x5: {  	s17 =	simm.s32 $0x1;
	s18 =	simm.s32 $0x0;
	s8 =	smul.u32 $0x14000, s0  }
0x6: {  	[smem:$0x7FF] =	sst s3;
	s4 =	sadd.s32 $0x14E00, s6;
	s9 =	smul.u32 $0x140000, s5  }
0x7: {  	s1 =	sshll.u32 s5, $0x4;
	s5 =	ssub.s32 $0x2, s5;
	s28 =	smul.u32 $0x50000, s0  }
0x8: {  	s31 =	sshll.u32 s0, $0x6;
	s1 =	sor.u32 s0, s1;
	s29 =	sshrl.u32 s5, $0x1  }
0x9: {  	s7 =	smul.u32 $0x500, s1;
	s1 =	rddreg [dreg:$0x2];
	_ =	strace $0x8000004A  }
0xa: {  	s26 =	sshrl.u32 s8, $0x3;
	s8 =	sadd.s32 s8, s9;
	s30 =	sshrl.u32 s28, $0x2  }
0xb: {  	s12 =	ssub.s32 s5, s29;
	s8 =	sshrl.u32 s8, $0x3;
	s13 =	sadd.s32 s30, s2  }
0xc: {  	s10 =	sadd.s32 s7, s6;
	s7 =	sadd.s32 s26, s6;
	s11 =	sadd.s32 s8, s6  }
0xd: {  	s6 =	sor.u32 $0x1C02, s31;
	s5 =	sadd.s32 $0x3CE00, s7;
	s7 =	sadd.s32 $0xAE00, s10  }
0xe: {  	s8 =	sadd.s32 $0xE00, s10;
	s9 =	sadd.s32 $0x64E00, s11;
	s10 =	smax.u32 s12, $0x1  }
0xf: {  	s11 =	sshrl.u32 s13, $0x3;
	s12 =	simm.s32 $0x2;
	s13 =	simm.s32 $0x14000  }
.LBB2_1:
0x10: {  	[spmem:s11], [sflag:s6] =	dma.local [hbm:s5], $0x2800  }
0x11: {  	_ =	swait.ge [sflag:s12], $0x2800  }
0x12: {  	[sflag:s12] =	ssyncset.done $0x0  }
0x13: {  	[sflag:s12] =	ssyncadd.s32 $0xFFFFD800  }
0x14: {  	[tilespmem:s13], [sflag:$0x2] =	stream.linear.gather [hbm4b:s7+s3], $0x2800, $0x38;
	[tilespmem:$0x1D000] =	vst v63  }
0x15: {  	_ =	swait.ge [sflag:s12], $0x2800  }
0x16: {  	[sflag:s12] =	ssyncset.done $0x0  }
0x17: {  	[sflag:s12] =	ssyncadd.s32 $0xFFFFD800  }
0x18: {  	[tilespmem:s14], [sflag:$0x2] =	stream.linear.gather [hbm4b:s8+s3], $0x2800, $0x38;
	[tilespmem:$0x1D000] =	vst v63  }
0x19: {  	_ =	swait.ge [sflag:s12], $0x2800  }
0x1a: {  	[sflag:s12] =	ssyncset.done $0x0  }
0x1b: {  	[sflag:s12] =	ssyncadd.s32 $0xFFFFD800  }
0x1c: {  	s19 =	simm.s32 $0x14000;
	[bflag:$0x0] =	sbarrier.arrive $0xFFFF  }
0x1d: {  	[tilespmem:s16], [sflag:$0x1] =	stream.indirect.gather [hbm4b:s4+s15], $0x80, s19, s15, $0xb8;
	[tilespmem:$0x1D000] =	vst v63  }
0x1e: {  	_ =	swait.ge [sflag:s17], $0x4000  }
0x1f: {  	[sflag:s17] =	ssyncset.done $0x0  }
0x20: {  	s31 =	simm.s32 $0x16800;
	[sflag:s17] =	ssyncadd.s32 $0xFFFFC000  }
0x21: {  	[spmem:s2] =	stream.indirect.scatter.add.f32 [tilespmem:s16], [sflag:$0x2], $0x80, s31, s15, $0xb8;
	[tilespmem:$0x1D000] =	vst v63  }
0x22: {  	_ =	swait.ge [sflag:s12], $0x4000  }
0x23: {  	s20 =	simm.s32 $0x400;
	s19 =	simm.s32 $0x80;
	[sflag:s12] =	ssyncset.done $0x0  }
.LBB2_2:
0x24: {  	s21 =	sadd.s32 $0x14000, s19  }
0x25: {  	[sflag:s12] =	ssyncadd.s32 $0xFFFFC000;
	s22 =	smov.u32 s20;
	s23 =	sadd.s32 $0x200, s20  }
0x26: {  	[tilespmem:s16], [sflag:$0x1] =	stream.indirect.gather [hbm4b:s4+s15], $0x80, s21, s15, $0xb8;
	[tilespmem:$0x1D000] =	vst v63  }
0x27: {  	p0 =	sne.s32 s20, $0x9E00;
	_ =	swait.ge [sflag:s17], $0x4000  }
.Ltmp0:
0x28: {  	[sflag:s17] =	ssyncset.done $0x0;
	(pc) =	sbr.rel @p0 .LBB2_2-.Ltmp0, $4  }
0x29: {  	s19 =	sadd.s32 $0x16800, s19;
	[sflag:s17] =	ssyncadd.s32 $0xFFFFC000  }
0x2a: {  	[spmem:s2] =	stream.indirect.scatter.add.f32 [tilespmem:s16], [sflag:$0x2], $0x80, s19, s15, $0xb8;
	[tilespmem:$0x1D000] =	vst v63  }
0x2b: {  	_ =	swait.ge [sflag:s12], $0x4000  }
0x2c: {  	s20 =	smov.u32 s23;
	s19 =	sshra.s32 s22, $0x2;
	[sflag:s12] =	ssyncset.done $0x0  }
0x2d: {  	s20 =	sadd.s32 $0x14000, s19;
	[sflag:s12] =	ssyncadd.s32 $0xFFFFC000  }
0x2e: {  	[tilespmem:s16], [sflag:$0x1] =	stream.indirect.gather [hbm4b:s4+s15], $0x80, s20, s15, $0xb8;
	[tilespmem:$0x1D000] =	vst v63  }
0x2f: {  	_ =	swait.ge [sflag:s17], $0x4000  }
0x30: {  	[sflag:s17] =	ssyncset.done $0x0  }
0x31: {  	s31 =	sadd.s32 $0x16800, s19;
	[sflag:s17] =	ssyncadd.s32 $0xFFFFC000  }
0x32: {  	[spmem:s2] =	stream.indirect.scatter.add.f32 [tilespmem:s16], [sflag:$0x2], $0x80, s31, s15, $0xb8;
	[tilespmem:$0x1D000] =	vst v63  }
0x33: {  	_ =	swait.ge [sflag:s12], $0x4000  }
0x34: {  	s18 =	sadd.s32 $0x1, s18;
	[sflag:s12] =	ssyncset.done $0x0  }
0x35: {  	p0 =	sne.s32 s18, s10;
	[sflag:s12] =	ssyncadd.s32 $0xFFFFC000  }
.Ltmp1:
0x36: {  	[bflag:$0x0] =	sbarrier.arrive $0xFFFF;
	(pc) =	sbr.rel @p0 .LBB2_1-.Ltmp1, $4  }
0x37: {  	[hbm:s9], [sflag:s6] =	dma.local [spmem:s11], $0x2800  }
0x38: {  	_ =	swait.ge [sflag:s12], $0x2800  }
0x39: {  	[sflag:s12] =	ssyncset.done $0x0  }
0x3a: {  	[sflag:s12] =	ssyncadd.s32 $0xFFFFD800  }
0x3b: {  	_ =	sfence.sel $0x180000  }
0x3c: {  	[bflag:$0x0] =	sbarrier.arrive $0xFFFF  }
0x3d: {  	p0 =	sne.s32 s0, $0x0;
	_ =	strace $0x9000004A  }
0x3e: {  	s0 =	sadd.s32 @!p0 $0x100000, s1;
	[bflag:$0x2] =	sbarrier.arrive $0xFFFF  }
0x3f: {  	[sflag:s0] =	ssyncadd.tile.s32 @!p0 $0x1;
	_ =	shalt  }
.Lfunc_end2:
_tile_overlayer_lowered:
.L_overlay_start_2:
0x40: {  	(tag) =	ssettag $0x2  }
0x41: {  	s0 =	rddreg [dreg:$0x0];
	s2 =	stileid.u32  }
0x42: {  	s1 =	rddreg [dreg:$0x1];
	p0 =	sne.s32 s2, $0x0  }
0x43: {  	s3 =	rddreg [dreg:$0x2];
	[bflag:$0x3] =	sbarrier.arrive $0xFFFF;
	s2 =	simm.s32 @!p0 $0x1C02  }
0x44: {  	[timem:s3], [sflag:s2] =	dma.local @!p0 [hbm:s0], s1  }
0x45: {  	s0 =	simm.s32 @!p0 $0x2  }
0x46: {  	_ =	swait.ge @!p0 [sflag:s0], s1  }
0x47: {  	s1 =	ssub.s32 @!p0 $0x0, s1;
	[sflag:s0] =	ssyncset.done @!p0 $0x0  }
0x48: {  	[sflag:s0] =	ssyncadd.s32 @!p0 s1  }
0x49: {  	[bflag:$0x3] =	sbarrier.arrive $0xFFFF  }
0x4a: {  	_ =	shalt  }

// kernel: kernel.14.cloned.1.call-start
scs
__scs_entry_jumppad:
0x0: {  	(pc) =	sbr.rel $0x88, $3  }
0x1: {  	(tag) =	ssettag $0x0;
	lr =	simm.s32 $0x1  }
0x2: {  	[smem:$0x3F9B] =	sst lr;
	_ =	strace $0xD0000000  }
0x3: {  	_ = 	snop  }
0x4: {  	_ = 	snop  }
0x5: {  	_ = 	snop  }
0x6: {  	_ = 	snop  }
0x7: {  	_ = 	snop  }
__scs_overlays_trampoline_lowered:
0x8: {  	[smem:$0x3FAA] =	sst s0  }
0x9: {  	[smem:$0x3FAB] =	sst s1  }
0xa: {  	[smem:$0x3FAC] =	sst s2  }
0xb: {  	[smem:$0x3FAD] =	sst s3  }
0xc: {  	[smem:$0x3FAE] =	sst s4  }
0xd: {  	[smem:$0x3FAF] =	sst s5  }
0xe: {  	[smem:$0x3FB0] =	sst s6  }
0xf: {  	[smem:$0x3FB1] =	sst s7  }
0x10: {  	[smem:$0x3FB2] =	sst s8  }
0x11: {  	[smem:$0x3FB3] =	sst s9;
	s0 =	simm.s32 @!p0 $0x0  }
0x12: {  	s1 =	sld [smem:$0x3F99];
	s0 =	simm.s32 @p0 $0x1  }
0x13: {  	[smem:$0x3FB4] =	sst s0;
	s0 =	simm.s32 @!p1 $0x0  }
0x14: {  	s2 =	sld [smem:$0x3F98];
	s0 =	simm.s32 @p1 $0x1  }
0x15: {  	[smem:$0x3FB5] =	sst s0;
	s0 =	simm.s32 @!p2 $0x0  }
0x16: {  	s3 =	sld [smem:$0x3FDB];
	s0 =	simm.s32 @p2 $0x1  }
0x17: {  	s4 =	simm.s32 $0x1BF5;
	[smem:$0x3FB7] =	sst s0  }
0x18: {  	s0 =	sld [smem:$0x3F9A];
	_ =	swait.ge [sflag:s4], $0x0  }
0x19: {  	s7 =	sld [smem:$0x3F9B]  }
0x1a: {  	s8 =	sadd.s32 $0xFFFFE003, lr  }
0x1b: {  	s9 =	sadd.s32 $0xFFFFFEF7, lr;
	s5 =	simm.s32 $0xFFFFFFFF;
	p2 =	slt.u32 s8, $0xFFFFF086  }
0x1c: {  	p1 =	slt.u32 s9, $0xF7A;
	s5 =	simm.s32 @!p2 $0x0  }
0x1d: {  	s5 =	simm.s32 @p1 $0x1;
	p0 =	seq.s32 s7, s2  }
0x1e: {  	s7 =	smul.u32 @!p0 $0xF7A, s2;
	p2 =	seq.s32 @!p0 s5, $0x0  }
0x1f: {  	s9 =	smul.u32 $0xF7A, s1;
	s8 =	simm.s32 @!p0 $0x1BF5;
	p2 =	por !p2, p0  }
0x20: {  	[sflag:s8] =	ssyncset.s32 @!p0 $0xFFFFF086;
	s6 =	sadd.s32 @!p0 s3, s7;
	s7 =	simm.s32 @!p0 $0x108  }
0x21: {  	s3 =	sadd.s32 s3, s9;
	s6 =	sadd.s32 @!p0 $0x88, s6;
	s7 =	simm.s32 @p2 $0x1082  }
0x22: {  	[simem:s7], [sflag:s8] =	dma.local @!p0 [hbm:s6], $0xF7A  }
0x23: {  	s9 =	sor.u32 $0xD0000000, s2;
	s6 =	simm.s32 $0x108;
	_ =	swait.ge @!p0 [sflag:s8], $0x0  }
0x24: {  	s3 =	sadd.s32 $0x88, s3;
	s6 =	simm.s32 @!p1 $0x1082;
	[sflag:s4] =	ssyncset.s32 $0xFFFFF086  }
0x25: {  	[simem:s6], [sflag:s4] =	dma.local [hbm:s3], $0xF7A  }
0x26: {  	[smem:$0x3F9B] =	sst s1;
	(tag) =	ssettag s2;
	_ =	strace s9  }
0x27: {  	s1 =	sld [smem:$0x3FAB]  }
0x28: {  	s2 =	sld [smem:$0x3FAC]  }
0x29: {  	s4 =	sld [smem:$0x3FAE]  }
0x2a: {  	p0 =	seq.s32 s5, $0x0;
	s5 =	sld [smem:$0x3FAF]  }
0x2b: {  	s6 =	sld [smem:$0x3FB0]  }
0x2c: {  	s7 =	sld [smem:$0x3FB1]  }
0x2d: {  	s3 =	simm.s32 $0x108;
	s8 =	sld [smem:$0x3FB2]  }
0x2e: {  	s3 =	simm.s32 @!p0 $0x1082;
	s9 =	sld [smem:$0x3FB3]  }
0x2f: {  	lr =	sadd.s32 s0, s3;
	s0 =	sld [smem:$0x3FAA]  }
0x30: {  	s3 =	sld [smem:$0x3FAD]  }
0x31: {  	[smem:$0x3FB6] =	sst s10  }
0x32: {  	s10 =	sld [smem:$0x3FB4];
	_ =	sdelay $0x3  }
0x33: {  	p0 =	seq.s32 s10, $0x1;
	s10 =	sld [smem:$0x3FB6];
	_ =	sdelay $0x3  }
0x34: {  	[smem:$0x3FB6] =	sst s10  }
0x35: {  	s10 =	sld [smem:$0x3FB5];
	_ =	sdelay $0x3  }
0x36: {  	p1 =	seq.s32 s10, $0x1;
	s10 =	sld [smem:$0x3FB6];
	_ =	sdelay $0x3  }
0x37: {  	[smem:$0x3FB6] =	sst s10  }
0x38: {  	s10 =	sld [smem:$0x3FB7]  }
0x39: {  	_ = 	snop;
	(pc) =	sbr.ind lr, $3  }
0x3a: {  	_ = 	snop  }
0x3b: {  	_ = 	snop  }
0x3c: {  	p2 =	seq.s32 s10, $0x1;
	s10 =	sld [smem:$0x3FB6]  }
0x3d: {  	_ =	shalt  }
0x3e: {  	_ =	shalt  }
0x3f: {  	_ =	shalt  }
0x40: {  	_ =	shalt  }
0x41: {  	_ =	shalt  }
0x42: {  	_ =	shalt  }
0x43: {  	_ =	shalt  }
0x44: {  	_ =	shalt  }
0x45: {  	_ =	shalt  }
0x46: {  	_ =	shalt  }
0x47: {  	_ =	shalt  }
0x48: {  	_ =	shalt  }
0x49: {  	_ =	shalt  }
0x4a: {  	_ =	shalt  }
0x4b: {  	_ =	shalt  }
0x4c: {  	_ =	shalt  }
0x4d: {  	_ =	shalt  }
0x4e: {  	_ =	shalt  }
0x4f: {  	_ =	shalt  }
0x50: {  	_ =	shalt  }
0x51: {  	_ =	shalt  }
0x52: {  	_ =	shalt  }
0x53: {  	_ =	shalt  }
0x54: {  	_ =	shalt  }
0x55: {  	_ =	shalt  }
0x56: {  	_ =	shalt  }
0x57: {  	_ =	shalt  }
0x58: {  	_ =	shalt  }
0x59: {  	_ =	shalt  }
0x5a: {  	_ =	shalt  }
0x5b: {  	_ =	shalt  }
0x5c: {  	_ =	shalt  }
0x5d: {  	_ =	shalt  }
0x5e: {  	_ =	shalt  }
0x5f: {  	_ =	shalt  }
0x60: {  	_ =	shalt  }
0x61: {  	_ =	shalt  }
0x62: {  	_ =	shalt  }
0x63: {  	_ =	shalt  }
0x64: {  	_ =	shalt  }
0x65: {  	_ =	shalt  }
0x66: {  	_ =	shalt  }
0x67: {  	_ =	shalt  }
0x68: {  	_ =	shalt  }
0x69: {  	_ =	shalt  }
0x6a: {  	_ =	shalt  }
0x6b: {  	_ =	shalt  }
0x6c: {  	_ =	shalt  }
0x6d: {  	_ =	shalt  }
0x6e: {  	_ =	shalt  }
0x6f: {  	_ =	shalt  }
0x70: {  	_ =	shalt  }
0x71: {  	_ =	shalt  }
0x72: {  	_ =	shalt  }
0x73: {  	_ =	shalt  }
0x74: {  	_ =	shalt  }
0x75: {  	_ =	shalt  }
0x76: {  	_ =	shalt  }
0x77: {  	_ =	shalt  }
0x78: {  	_ =	shalt  }
0x79: {  	_ =	shalt  }
0x7a: {  	_ =	shalt  }
0x7b: {  	_ =	shalt  }
0x7c: {  	_ =	shalt  }
0x7d: {  	_ =	shalt  }
0x7e: {  	_ =	shalt  }
0x7f: {  	_ =	shalt  }
0x80: {  	_ =	shalt  }
0x81: {  	_ =	shalt  }
0x82: {  	_ =	shalt  }
0x83: {  	_ =	shalt  }
0x84: {  	_ =	shalt  }
0x85: {  	_ =	shalt  }
0x86: {  	_ =	shalt  }
0x87: {  	_ =	shalt  }
.Lfunc_end0:
.L_simem_size_0:
called_computation.2_lowered:
.L_overlay_start_0:
0x88: {  	s2 =	sld [smem:$0x3FD9]  }
0x89: {  	s3 =	sld [smem:$0x3FFE];
	_ =	sdelay $0x1  }
0x8a: {  	s1 =	srdreg.scid  }
0x8b: {  	s0 =	sand.u32 $0x1, s1  }
0x8c: {  	s17 =	sshll.u32 s0, $0xA;
	s2 =	sadd.s32 s3, s2  }
0x8d: {  	s2 =	sadd.s32 s2, s17  }
0x8e: {  	[smem:$0x3FC2] =	sst s2  }
0x8f: {  	_ = 	snop  }
0x90: {  	s2 =	sld [smem:$0x3FD0];
	(tm) =	ssettm $0x1  }
0x91: {  	s18 =	sld [smem:$0x3FFB];
	_ =	sdelay $0x3  }
0x92: {  	_ =	strace s18  }
0x93: {  	s3 =	sld [smem:$0x3FFC];
	_ =	sdelay $0x3  }
0x94: {  	_ =	strace s3  }
0x95: {  	s3 =	sld [smem:$0x3FFD];
	_ =	sdelay $0x3  }
0x96: {  	_ =	strace s3  }
0x97: {  	_ =	strace $0x8FFFFFFF  }
0x98: {  	s19 =	sld [smem:$0x3FDB];
	_ =	sdelay $0x1  }
0x99: {  	s4 =	simm.s32 $_scs_section_size  }
0x9a: {  	s5 =	simm.s32 $_size__tile_overlayer_lowered;
	s6 =	simm.s32 $_tile_overlayer_lowered  }
0x9b: {  	s22 =	simm.s32 $0x1BFF;
	s21 =	sshll.u32 s6, $0x1;
	s3 =	sadd.s32 s4, s19  }
0x9c: {  	s7 =	simm.s32 $0x0;
	s20 =	sshll.u32 s5, $0x1;
	s5 =	sadd.s32 s21, s3  }
0x9d: {  	[timem:s7], [sflag:s22] =	dma.local [hbm:s5], s20  }
0x9e: {  	_ =	swait.ge [sflag:s22], s20  }
0x9f: {  	s4 =	ssub.s32 $0x0, s20;
	[sflag:s22] =	ssyncset.done $0x0  }
0xa0: {  	[sflag:s22] =	ssyncadd.s32 s4;
	_ =	sdelay $0x1  }
0xa1: {  	s23 =	simm.s32 $0x1B8B  }
0xa2: {  	_ =	swait.ge [sflag:s23], $0x1  }
0xa3: {  	[sflag:s23] =	ssyncset.done $0x0  }
0xa4: {  	s25 =	simm.s32 $0x1B8E;
	s24 =	sld [smem:$0x3FFE];
	[sflag:s23] =	ssyncadd.s32 $0xFFFFFFFF  }
0xa5: {  	s26 =	simm.s32 $execute0_lowered;
	[smem:$0x3FD2] =	sst s25  }
0xa6: {  	s5 =	sshll.u32 s26, $0x1;
	_ =	strace $0x8000004C;
	[dreg:$0x1] =	wrdreg $0xFFFFFFFF  }
0xa7: {  	s28 =	simm.s32 $_size_execute0_lowered;
	s3 =	sadd.s32 s3, s5;
	[dreg:$0x0] =	wrdreg $0x0  }
0xa8: {  	s5 =	sshll.u32 s28, $0x1;
	[dreg:$0x2] =	wrdreg s3  }
0xa9: {  	[dreg:$0x3] =	wrdreg s5  }
0xaa: {  	[dreg:$0x4] =	wrdreg $0xC0  }
0xab: {  	_ =	task [dreg:s7], $0x5FFFF  }
0xac: {  	[dreg:$0x1] =	wrdreg $0xFFFFFFFF  }
0xad: {  	[dreg:$0x0] =	wrdreg $0x60  }
0xae: {  	[dreg:$0x2] =	wrdreg s24  }
0xaf: {  	[dreg:$0x3] =	wrdreg s2  }
0xb0: {  	[dreg:$0x4] =	wrdreg $0x0  }
0xb1: {  	[dreg:$0x5] =	wrdreg $0x9  }
0xb2: {  	_ =	task.clear_ibuf [dreg:s7], $0x6FFFF;
	_ =	strace $0x9000004C  }
0xb3: {  	s29 =	simm.s32 $0x9;
	_ =	strace $0x8000004E  }
0xb4: {  	_ =	swait.ge [sflag:s29], $0x1  }
0xb5: {  	[sflag:s29] =	ssyncadd.s32 $0xFFFFFFFF  }
0xb6: {  	_ =	strace $0x9000004E  }
0xb7: {  	_ =	sfence  }
0xb8: {  	s30 =	sld [smem:$0x0];
	_ =	sdelay $0x2  }
0xb9: {  	s31 =	sshll.u32 s1, $0xD;
	s1 =	sshrl.u32 s1, $0x2  }
0xba: {  	s3 =	sand.u32 $0x4000, s31;
	s1 =	sadd.s32 s1, s30  }
0xbb: {  	s0 =	sor.u32 s3, s0;
	s1 =	sshll.u32 s1, $0x11  }
0xbc: {  	s0 =	sor.u32 s1, s0  }
0xbd: {  	s0 =	sadd.s32 $0x8F2B, s0  }
0xbe: {  	[sflag:s0] =	ssyncadd.remote.s32 $0x1  }
0xbf: {  	_ =	sfence.sel $0xFFFF  }
0xc0: {  	[dreg:$0x0] =	wrdreg $0xFFFFFFFF;
	(pc) =	sbr.abs _section_cstart, $3  }
0xc1: {  	[dreg:$0x1] =	wrdreg $0xFFFFFFFF  }
0xc2: {  	_ =	task.clear_ibuf [dreg:s7], $0x2FFFF;
	_ =	strace $0x9FFFFFFF  }
0xc3: {  	(tm) =	ssettm $0x7FFFFFFF  }
tec
execute0_lowered:
.L_overlay_start_1:
0x0: {  	(tag) =	ssettag $0x1  }
0x1: {  	s5 =	rddreg [dreg:$0x0]  }
0x2: {  	s6 =	rddreg [dreg:$0x1];
	s0 =	srdreg.scid  }
0x3: {  	s2 =	rddreg [dreg:$0x2];
	s1 =	stileid.u32  }
0x4: {  	s3 =	simm.s32 $0x0;
	s13 =	simm.s32 $0x280;
	s14 =	simm.s32 $0x2A80  }
0x5: {  	s15 =	simm.s32 $0x5280;
	s16 =	simm.s32 $0x80;
	s17 =	simm.s32 $0x7A80  }
0x6: {  	s18 =	simm.s32 $0x7B00;
	s19 =	simm.s32 $0x1;
	s20 =	simm.s32 $0x2  }
0x7: {  	s21 =	simm.s32 $0x20;
	s22 =	simm.s32 $0x10;
	s8 =	smul.u32 $0x2800, s1  }
0x8: {  	s7 =	sand.u32 $0x1, s0;
	s0 =	rddreg [dreg:$0x3];
	s9 =	smul.u32 $0x500, s1  }
0x9: {  	s23 =	simm.s32 $0x0;
	[smem:$0x7FF] =	sst s3;
	s29 =	smul.u32 $0x280, s1  }
0xa: {  	s31 =	sshll.u32 s1, $0x6;
	s4 =	smul.u32 $0x28000, s7;
	s10 =	sshll.u32 s7, $0x7  }
0xb: {  	_ =	strace $0x8000004D;
	s7 =	ssub.s32 $0x2, s7;
	s9 =	sor.u32 s10, s9  }
0xc: {  	s11 =	sshrl.u32 s7, $0x1;
	s30 =	sshrl.u32 s29, $0x3;
	s12 =	sadd.s32 s29, s2  }
0xd: {  	s8 =	sadd.s32 s8, s4;
	s4 =	sadd.s32 $0x14E00, s5;
	s9 =	sshrl.u32 s9, $0x3  }
0xe: {  	s11 =	ssub.s32 s7, s11;
	s8 =	sshrl.u32 s8, $0x3;
	s9 =	sadd.s32 s9, s5  }
0xf: {  	s10 =	smax.u32 s11, $0x1;
	s11 =	sshrl.u32 s12, $0x3;
	s12 =	simm.s32 $0x3  }
0x10: {  	s8 =	sadd.s32 s8, s5;
	s5 =	sadd.s32 s6, s30;
	s6 =	sor.u32 $0x1C03, s31  }
0x11: {  	s9 =	sadd.s32 $0x15400, s9;
	s7 =	sadd.s32 $0xAE00, s8;
	s8 =	sadd.s32 $0xE00, s8  }
.LBB2_1:
0x12: {  	[spmem:s11], [sflag:s6] =	dma.local [hbm:s5], $0x50  }
0x13: {  	_ =	swait.ge [sflag:s12], $0x50  }
0x14: {  	[sflag:s12] =	ssyncset.done $0x0  }
0x15: {  	[sflag:s12] =	ssyncadd.s32 $0xFFFFFFB0  }
0x16: {  	[tilespmem:s13], [sflag:$0x3] =	stream.linear.gather [hbm4b:s7+s3], $0x2800, $0x38;
	[tilespmem:$0x7B80] =	vst v63  }
0x17: {  	_ =	swait.ge [sflag:s12], $0x2800  }
0x18: {  	[sflag:s12] =	ssyncset.done $0x0  }
0x19: {  	[sflag:s12] =	ssyncadd.s32 $0xFFFFD800  }
0x1a: {  	[tilespmem:s14], [sflag:$0x3] =	stream.linear.gather [hbm4b:s8+s3], $0x2800, $0x38;
	[tilespmem:$0x7B80] =	vst v63  }
0x1b: {  	_ =	swait.ge [sflag:s12], $0x2800  }
0x1c: {  	[sflag:s12] =	ssyncset.done $0x0  }
0x1d: {  	[sflag:s12] =	ssyncadd.s32 $0xFFFFD800  }
0x1e: {  	[tilespmem:s15], [sflag:$0x3] =	stream.linear.gather [hbm4b:s4+s3], $0x2800, $0x38;
	[tilespmem:$0x7B80] =	vst v63  }
0x1f: {  	_ =	swait.ge [sflag:s12], $0x2800  }
0x20: {  	[sflag:s12] =	ssyncset.done $0x0  }
0x21: {  	[sflag:s12] =	ssyncadd.s32 $0xFFFFD800  }
0x22: {  	s24 =	simm.s32 $0x0;
	[bflag:$0x0] =	sbarrier.arrive $0xFFFF  }
.LBB2_2:
0x23: {  	s25 =	sshra.s32 s24, $0x2  }
0x24: {  	v0 =	vld [tilespmem:s25+$0x280];
	_ =	sdelay $0x7  }
0x25: {  	v0 =	vld.idx.msk [tilespmem:v0+s15+$0x0], $0xffff;
	_ =	sdelay $0x4  }
0x26: {  	[tilespmem:$0x7A80] =	vst v0  }
0x27: {  	v0 =	vld [tilespmem:s25+$0x290];
	_ =	sdelay $0x7  }
0x28: {  	v0 =	vld.idx.msk [tilespmem:v0+s15+$0x0], $0xffff;
	_ =	sdelay $0x4  }
0x29: {  	[tilespmem:$0x7A90] =	vst v0  }
0x2a: {  	v0 =	vld [tilespmem:s25+$0x2A0];
	_ =	sdelay $0x7  }
0x2b: {  	v0 =	vld.idx.msk [tilespmem:v0+s15+$0x0], $0xffff;
	_ =	sdelay $0x4  }
0x2c: {  	[tilespmem:$0x7AA0] =	vst v0  }
0x2d: {  	v0 =	vld [tilespmem:s25+$0x2B0];
	_ =	sdelay $0x7  }
0x2e: {  	v0 =	vld.idx.msk [tilespmem:v0+s15+$0x0], $0xffff;
	_ =	sdelay $0x4  }
0x2f: {  	[tilespmem:$0x7AB0] =	vst v0  }
0x30: {  	v0 =	vld [tilespmem:s25+$0x2C0];
	_ =	sdelay $0x7  }
0x31: {  	v0 =	vld.idx.msk [tilespmem:v0+s15+$0x0], $0xffff;
	_ =	sdelay $0x4  }
0x32: {  	[tilespmem:$0x7AC0] =	vst v0  }
0x33: {  	v0 =	vld [tilespmem:s25+$0x2D0];
	_ =	sdelay $0x7  }
0x34: {  	v0 =	vld.idx.msk [tilespmem:v0+s15+$0x0], $0xffff;
	_ =	sdelay $0x4  }
0x35: {  	[tilespmem:$0x7AD0] =	vst v0  }
0x36: {  	v0 =	vld [tilespmem:s25+$0x2E0];
	_ =	sdelay $0x7  }
0x37: {  	v0 =	vld.idx.msk [tilespmem:v0+s15+$0x0], $0xffff;
	_ =	sdelay $0x4  }
0x38: {  	[tilespmem:$0x7AE0] =	vst v0  }
0x39: {  	v0 =	vld [tilespmem:s25+$0x2F0];
	_ =	sdelay $0x7  }
0x3a: {  	v0 =	vld.idx.msk [tilespmem:v0+s15+$0x0], $0xffff;
	_ =	sdelay $0x4  }
0x3b: {  	s26 =	sadd.s32 $0x2A80, s25;
	[tilespmem:$0x7AF0] =	vst v0  }
0x3c: {  	[spmem:s2] =	stream.indirect.scatter.add.f32 [tilespmem:s17], [sflag:$0x1], $0x1, s26, s16, $0xb8;
	[tilespmem:$0x7B80] =	vst v63  }
0x3d: {  	v0 =	vld [tilespmem:s25+$0x300];
	_ =	sdelay $0x7  }
0x3e: {  	v0 =	vld.idx.msk [tilespmem:v0+s15+$0x0], $0xffff;
	_ =	sdelay $0x4  }
0x3f: {  	[tilespmem:$0x7B00] =	vst v0  }
0x40: {  	v0 =	vld [tilespmem:s25+$0x310];
	_ =	sdelay $0x7  }
0x41: {  	v0 =	vld.idx.msk [tilespmem:v0+s15+$0x0], $0xffff;
	_ =	sdelay $0x4  }
0x42: {  	[tilespmem:$0x7B10] =	vst v0  }
0x43: {  	v0 =	vld [tilespmem:s25+$0x320];
	_ =	sdelay $0x7  }
0x44: {  	v0 =	vld.idx.msk [tilespmem:v0+s15+$0x0], $0xffff;
	_ =	sdelay $0x4  }
0x45: {  	[tilespmem:$0x7B20] =	vst v0  }
0x46: {  	v0 =	vld [tilespmem:s25+$0x330];
	_ =	sdelay $0x7  }
0x47: {  	v0 =	vld.idx.msk [tilespmem:v0+s15+$0x0], $0xffff;
	_ =	sdelay $0x4  }
0x48: {  	[tilespmem:$0x7B30] =	vst v0  }
0x49: {  	v0 =	vld [tilespmem:s25+$0x340];
	_ =	sdelay $0x7  }
0x4a: {  	v0 =	vld.idx.msk [tilespmem:v0+s15+$0x0], $0xffff;
	_ =	sdelay $0x4  }
0x4b: {  	[tilespmem:$0x7B40] =	vst v0  }
0x4c: {  	v0 =	vld [tilespmem:s25+$0x350];
	_ =	sdelay $0x7  }
0x4d: {  	v0 =	vld.idx.msk [tilespmem:v0+s15+$0x0], $0xffff;
	_ =	sdelay $0x4  }
0x4e: {  	[tilespmem:$0x7B50] =	vst v0  }
0x4f: {  	v0 =	vld [tilespmem:s25+$0x360];
	_ =	sdelay $0x7  }
0x50: {  	v0 =	vld.idx.msk [tilespmem:v0+s15+$0x0], $0xffff;
	_ =	sdelay $0x4  }
0x51: {  	[tilespmem:$0x7B60] =	vst v0  }
0x52: {  	v0 =	vld [tilespmem:s25+$0x370];
	_ =	sdelay $0x7  }
0x53: {  	v0 =	vld.idx.msk [tilespmem:v0+s15+$0x0], $0xffff;
	_ =	sdelay $0x4  }
0x54: {  	s25 =	sadd.s32 $0x2B00, s25;
	[tilespmem:$0x7B70] =	vst v0  }
0x55: {  	[spmem:s2] =	stream.indirect.scatter.add.f32 [tilespmem:s18], [sflag:$0x2], $0x1, s25, s16, $0xb8;
	[tilespmem:$0x7B80] =	vst v63  }
0x56: {  	p0 =	sne.s32 s24, $0x9C00;
	_ =	swait.ge [sflag:s19], $0x80  }
.Ltmp0:
0x57: {  	[sflag:s19] =	ssyncset.done $0x0;
	(pc) =	sbr.rel @p0 .LBB2_2-.Ltmp0, $4  }
0x58: {  	[sflag:s19] =	ssyncadd.s32 $0xFFFFFF80  }
0x59: {  	_ =	swait.ge [sflag:s20], $0x80  }
0x5a: {  	[sflag:s20] =	ssyncset.done $0x0  }
0x5b: {  	s24 =	sadd.s32 $0x400, s24;
	[sflag:s20] =	ssyncadd.s32 $0xFFFFFF80  }
0x5c: {  	s23 =	sadd.s32 $0x1, s23  }
0x5d: {  	p0 =	sne.s32 s23, s10  }
.Ltmp1:
0x5e: {  	[bflag:$0x0] =	sbarrier.arrive $0xFFFF;
	(pc) =	sbr.rel @p0 .LBB2_1-.Ltmp1, $4  }
0x5f: {  	[hbm:s9@s21], [sflag:s6] =	dma.strided [spmem:s11@s22], $0x50, s19, $0x10   }
0x60: {  	_ =	swait.ge [sflag:s12], $0x50  }
0x61: {  	[sflag:s12] =	ssyncset.done $0x0  }
0x62: {  	[sflag:s12] =	ssyncadd.s32 $0xFFFFFFB0  }
0x63: {  	_ =	sfence.sel $0x180000  }
0x64: {  	[bflag:$0x0] =	sbarrier.arrive $0xFFFF  }
0x65: {  	p0 =	sne.s32 s1, $0x0;
	_ =	strace $0x9000004D  }
0x66: {  	s0 =	sadd.s32 @!p0 $0x100000, s0;
	[bflag:$0x2] =	sbarrier.arrive $0xFFFF  }
0x67: {  	[sflag:s0] =	ssyncadd.tile.s32 @!p0 $0x1;
	_ =	shalt  }
.Lfunc_end2:
_tile_overlayer_lowered:
.L_overlay_start_2:
0x68: {  	(tag) =	ssettag $0x2  }
0x69: {  	s0 =	rddreg [dreg:$0x0];
	s2 =	stileid.u32  }
0x6a: {  	s1 =	rddreg [dreg:$0x1];
	p0 =	sne.s32 s2, $0x0  }
0x6b: {  	s3 =	rddreg [dreg:$0x2];
	[bflag:$0x3] =	sbarrier.arrive $0xFFFF;
	s2 =	simm.s32 @!p0 $0x1C03  }
0x6c: {  	[timem:s3], [sflag:s2] =	dma.local @!p0 [hbm:s0], s1  }
0x6d: {  	s0 =	simm.s32 @!p0 $0x3  }
0x6e: {  	_ =	swait.ge @!p0 [sflag:s0], s1  }
0x6f: {  	s1 =	ssub.s32 @!p0 $0x0, s1;
	[sflag:s0] =	ssyncset.done @!p0 $0x0  }
0x70: {  	[sflag:s0] =	ssyncadd.s32 @!p0 s1  }
0x71: {  	[bflag:$0x3] =	sbarrier.arrive $0xFFFF  }
0x72: {  	_ =	shalt  }

// kernel: kernel.8.cloned.1.call-start
scs
__scs_entry_jumppad:
0x0: {  	(pc) =	sbr.rel $0x88, $3  }
0x1: {  	(tag) =	ssettag $0x0;
	lr =	simm.s32 $0x1  }
0x2: {  	[smem:$0x3F9B] =	sst lr;
	_ =	strace $0xD0000000  }
0x3: {  	_ = 	snop  }
0x4: {  	_ = 	snop  }
0x5: {  	_ = 	snop  }
0x6: {  	_ = 	snop  }
0x7: {  	_ = 	snop  }
__scs_overlays_trampoline_lowered:
0x8: {  	[smem:$0x3FAA] =	sst s0  }
0x9: {  	[smem:$0x3FAB] =	sst s1  }
0xa: {  	[smem:$0x3FAC] =	sst s2  }
0xb: {  	[smem:$0x3FAD] =	sst s3  }
0xc: {  	[smem:$0x3FAE] =	sst s4  }
0xd: {  	[smem:$0x3FAF] =	sst s5  }
0xe: {  	[smem:$0x3FB0] =	sst s6  }
0xf: {  	[smem:$0x3FB1] =	sst s7  }
0x10: {  	[smem:$0x3FB2] =	sst s8  }
0x11: {  	[smem:$0x3FB3] =	sst s9;
	s0 =	simm.s32 @!p0 $0x0  }
0x12: {  	s1 =	sld [smem:$0x3F99];
	s0 =	simm.s32 @p0 $0x1  }
0x13: {  	[smem:$0x3FB4] =	sst s0;
	s0 =	simm.s32 @!p1 $0x0  }
0x14: {  	s2 =	sld [smem:$0x3F98];
	s0 =	simm.s32 @p1 $0x1  }
0x15: {  	[smem:$0x3FB5] =	sst s0;
	s0 =	simm.s32 @!p2 $0x0  }
0x16: {  	s3 =	sld [smem:$0x3FDB];
	s0 =	simm.s32 @p2 $0x1  }
0x17: {  	s4 =	simm.s32 $0x1BF5;
	[smem:$0x3FB7] =	sst s0  }
0x18: {  	s0 =	sld [smem:$0x3F9A];
	_ =	swait.ge [sflag:s4], $0x0  }
0x19: {  	s7 =	sld [smem:$0x3F9B]  }
0x1a: {  	s8 =	sadd.s32 $0xFFFFE003, lr  }
0x1b: {  	s9 =	sadd.s32 $0xFFFFFEF7, lr;
	s5 =	simm.s32 $0xFFFFFFFF;
	p2 =	slt.u32 s8, $0xFFFFF086  }
0x1c: {  	p1 =	slt.u32 s9, $0xF7A;
	s5 =	simm.s32 @!p2 $0x0  }
0x1d: {  	s5 =	simm.s32 @p1 $0x1;
	p0 =	seq.s32 s7, s2  }
0x1e: {  	s7 =	smul.u32 @!p0 $0xF7A, s2;
	p2 =	seq.s32 @!p0 s5, $0x0  }
0x1f: {  	s9 =	smul.u32 $0xF7A, s1;
	s8 =	simm.s32 @!p0 $0x1BF5;
	p2 =	por !p2, p0  }
0x20: {  	[sflag:s8] =	ssyncset.s32 @!p0 $0xFFFFF086;
	s6 =	sadd.s32 @!p0 s3, s7;
	s7 =	simm.s32 @!p0 $0x108  }
0x21: {  	s3 =	sadd.s32 s3, s9;
	s6 =	sadd.s32 @!p0 $0x88, s6;
	s7 =	simm.s32 @p2 $0x1082  }
0x22: {  	[simem:s7], [sflag:s8] =	dma.local @!p0 [hbm:s6], $0xF7A  }
0x23: {  	s9 =	sor.u32 $0xD0000000, s2;
	s6 =	simm.s32 $0x108;
	_ =	swait.ge @!p0 [sflag:s8], $0x0  }
0x24: {  	s3 =	sadd.s32 $0x88, s3;
	s6 =	simm.s32 @!p1 $0x1082;
	[sflag:s4] =	ssyncset.s32 $0xFFFFF086  }
0x25: {  	[simem:s6], [sflag:s4] =	dma.local [hbm:s3], $0xF7A  }
0x26: {  	[smem:$0x3F9B] =	sst s1;
	(tag) =	ssettag s2;
	_ =	strace s9  }
0x27: {  	s1 =	sld [smem:$0x3FAB]  }
0x28: {  	s2 =	sld [smem:$0x3FAC]  }
0x29: {  	s4 =	sld [smem:$0x3FAE]  }
0x2a: {  	p0 =	seq.s32 s5, $0x0;
	s5 =	sld [smem:$0x3FAF]  }
0x2b: {  	s6 =	sld [smem:$0x3FB0]  }
0x2c: {  	s7 =	sld [smem:$0x3FB1]  }
0x2d: {  	s3 =	simm.s32 $0x108;
	s8 =	sld [smem:$0x3FB2]  }
0x2e: {  	s3 =	simm.s32 @!p0 $0x1082;
	s9 =	sld [smem:$0x3FB3]  }
0x2f: {  	lr =	sadd.s32 s0, s3;
	s0 =	sld [smem:$0x3FAA]  }
0x30: {  	s3 =	sld [smem:$0x3FAD]  }
0x31: {  	[smem:$0x3FB6] =	sst s10  }
0x32: {  	s10 =	sld [smem:$0x3FB4];
	_ =	sdelay $0x3  }
0x33: {  	p0 =	seq.s32 s10, $0x1;
	s10 =	sld [smem:$0x3FB6];
	_ =	sdelay $0x3  }
0x34: {  	[smem:$0x3FB6] =	sst s10  }
0x35: {  	s10 =	sld [smem:$0x3FB5];
	_ =	sdelay $0x3  }
0x36: {  	p1 =	seq.s32 s10, $0x1;
	s10 =	sld [smem:$0x3FB6];
	_ =	sdelay $0x3  }
0x37: {  	[smem:$0x3FB6] =	sst s10  }
0x38: {  	s10 =	sld [smem:$0x3FB7]  }
0x39: {  	_ = 	snop;
	(pc) =	sbr.ind lr, $3  }
0x3a: {  	_ = 	snop  }
0x3b: {  	_ = 	snop  }
0x3c: {  	p2 =	seq.s32 s10, $0x1;
	s10 =	sld [smem:$0x3FB6]  }
0x3d: {  	_ =	shalt  }
0x3e: {  	_ =	shalt  }
0x3f: {  	_ =	shalt  }
0x40: {  	_ =	shalt  }
0x41: {  	_ =	shalt  }
0x42: {  	_ =	shalt  }
0x43: {  	_ =	shalt  }
0x44: {  	_ =	shalt  }
0x45: {  	_ =	shalt  }
0x46: {  	_ =	shalt  }
0x47: {  	_ =	shalt  }
0x48: {  	_ =	shalt  }
0x49: {  	_ =	shalt  }
0x4a: {  	_ =	shalt  }
0x4b: {  	_ =	shalt  }
0x4c: {  	_ =	shalt  }
0x4d: {  	_ =	shalt  }
0x4e: {  	_ =	shalt  }
0x4f: {  	_ =	shalt  }
0x50: {  	_ =	shalt  }
0x51: {  	_ =	shalt  }
0x52: {  	_ =	shalt  }
0x53: {  	_ =	shalt  }
0x54: {  	_ =	shalt  }
0x55: {  	_ =	shalt  }
0x56: {  	_ =	shalt  }
0x57: {  	_ =	shalt  }
0x58: {  	_ =	shalt  }
0x59: {  	_ =	shalt  }
0x5a: {  	_ =	shalt  }
0x5b: {  	_ =	shalt  }
0x5c: {  	_ =	shalt  }
0x5d: {  	_ =	shalt  }
0x5e: {  	_ =	shalt  }
0x5f: {  	_ =	shalt  }
0x60: {  	_ =	shalt  }
0x61: {  	_ =	shalt  }
0x62: {  	_ =	shalt  }
0x63: {  	_ =	shalt  }
0x64: {  	_ =	shalt  }
0x65: {  	_ =	shalt  }
0x66: {  	_ =	shalt  }
0x67: {  	_ =	shalt  }
0x68: {  	_ =	shalt  }
0x69: {  	_ =	shalt  }
0x6a: {  	_ =	shalt  }
0x6b: {  	_ =	shalt  }
0x6c: {  	_ =	shalt  }
0x6d: {  	_ =	shalt  }
0x6e: {  	_ =	shalt  }
0x6f: {  	_ =	shalt  }
0x70: {  	_ =	shalt  }
0x71: {  	_ =	shalt  }
0x72: {  	_ =	shalt  }
0x73: {  	_ =	shalt  }
0x74: {  	_ =	shalt  }
0x75: {  	_ =	shalt  }
0x76: {  	_ =	shalt  }
0x77: {  	_ =	shalt  }
0x78: {  	_ =	shalt  }
0x79: {  	_ =	shalt  }
0x7a: {  	_ =	shalt  }
0x7b: {  	_ =	shalt  }
0x7c: {  	_ =	shalt  }
0x7d: {  	_ =	shalt  }
0x7e: {  	_ =	shalt  }
0x7f: {  	_ =	shalt  }
0x80: {  	_ =	shalt  }
0x81: {  	_ =	shalt  }
0x82: {  	_ =	shalt  }
0x83: {  	_ =	shalt  }
0x84: {  	_ =	shalt  }
0x85: {  	_ =	shalt  }
0x86: {  	_ =	shalt  }
0x87: {  	_ =	shalt  }
.Lfunc_end0:
.L_simem_size_0:
called_computation_lowered:
.L_overlay_start_0:
0x88: {  	s2 =	sld [smem:$0x3FD9]  }
0x89: {  	s3 =	sld [smem:$0x3FFE];
	_ =	sdelay $0x1  }
0x8a: {  	s1 =	srdreg.scid  }
0x8b: {  	s0 =	sand.u32 $0x1, s1  }
0x8c: {  	s17 =	sshll.u32 s0, $0xA;
	s2 =	sadd.s32 s3, s2  }
0x8d: {  	s2 =	sadd.s32 s2, s17  }
0x8e: {  	[smem:$0x3FC2] =	sst s2  }
0x8f: {  	_ = 	snop  }
0x90: {  	s2 =	sld [smem:$0x3FD0];
	(tm) =	ssettm $0x1  }
0x91: {  	s18 =	sld [smem:$0x3FFB];
	_ =	sdelay $0x3  }
0x92: {  	_ =	strace s18  }
0x93: {  	s3 =	sld [smem:$0x3FFC];
	_ =	sdelay $0x3  }
0x94: {  	_ =	strace s3  }
0x95: {  	s3 =	sld [smem:$0x3FFD];
	_ =	sdelay $0x3  }
0x96: {  	_ =	strace s3  }
0x97: {  	_ =	strace $0x8FFFFFFF  }
0x98: {  	s19 =	sld [smem:$0x3FDB];
	_ =	sdelay $0x1  }
0x99: {  	s4 =	simm.s32 $_scs_section_size  }
0x9a: {  	s5 =	simm.s32 $_size__tile_overlayer_lowered;
	s6 =	simm.s32 $_tile_overlayer_lowered  }
0x9b: {  	s22 =	simm.s32 $0x1BFF;
	s21 =	sshll.u32 s6, $0x1;
	s3 =	sadd.s32 s4, s19  }
0x9c: {  	s7 =	simm.s32 $0x0;
	s20 =	sshll.u32 s5, $0x1;
	s5 =	sadd.s32 s21, s3  }
0x9d: {  	[timem:s7], [sflag:s22] =	dma.local [hbm:s5], s20  }
0x9e: {  	_ =	swait.ge [sflag:s22], s20  }
0x9f: {  	s4 =	ssub.s32 $0x0, s20;
	[sflag:s22] =	ssyncset.done $0x0  }
0xa0: {  	[sflag:s22] =	ssyncadd.s32 s4;
	_ =	sdelay $0x1  }
0xa1: {  	s23 =	simm.s32 $0x1B8B  }
0xa2: {  	_ =	swait.ge [sflag:s23], $0x1  }
0xa3: {  	[sflag:s23] =	ssyncset.done $0x0  }
0xa4: {  	s25 =	simm.s32 $0x1B8E;
	s24 =	sld [smem:$0x3FFE];
	[sflag:s23] =	ssyncadd.s32 $0xFFFFFFFF  }
0xa5: {  	s26 =	simm.s32 $execute0_lowered;
	[smem:$0x3FD2] =	sst s25  }
0xa6: {  	s5 =	sshll.u32 s26, $0x1;
	_ =	strace $0x80000046;
	[dreg:$0x1] =	wrdreg $0xFFFFFFFF  }
0xa7: {  	s28 =	simm.s32 $_size_execute0_lowered;
	s3 =	sadd.s32 s3, s5;
	[dreg:$0x0] =	wrdreg $0x0  }
0xa8: {  	s5 =	sshll.u32 s28, $0x1;
	[dreg:$0x2] =	wrdreg s3  }
0xa9: {  	[dreg:$0x3] =	wrdreg s5  }
0xaa: {  	[dreg:$0x4] =	wrdreg $0xC0  }
0xab: {  	_ =	task [dreg:s7], $0x5FFFF  }
0xac: {  	[dreg:$0x1] =	wrdreg $0xFFFFFFFF  }
0xad: {  	[dreg:$0x0] =	wrdreg $0x60  }
0xae: {  	[dreg:$0x2] =	wrdreg s24  }
0xaf: {  	[dreg:$0x3] =	wrdreg s2  }
0xb0: {  	[dreg:$0x4] =	wrdreg $0x0  }
0xb1: {  	[dreg:$0x5] =	wrdreg $0x9  }
0xb2: {  	_ =	task.clear_ibuf [dreg:s7], $0x6FFFF;
	_ =	strace $0x90000046  }
0xb3: {  	s29 =	simm.s32 $0x9;
	_ =	strace $0x80000048  }
0xb4: {  	_ =	swait.ge [sflag:s29], $0x1  }
0xb5: {  	[sflag:s29] =	ssyncadd.s32 $0xFFFFFFFF  }
0xb6: {  	_ =	strace $0x90000048  }
0xb7: {  	_ =	sfence  }
0xb8: {  	s30 =	sld [smem:$0x0];
	_ =	sdelay $0x2  }
0xb9: {  	s31 =	sshll.u32 s1, $0xD;
	s1 =	sshrl.u32 s1, $0x2  }
0xba: {  	s3 =	sand.u32 $0x4000, s31;
	s1 =	sadd.s32 s1, s30  }
0xbb: {  	s0 =	sor.u32 s3, s0;
	s1 =	sshll.u32 s1, $0x11  }
0xbc: {  	s0 =	sor.u32 s1, s0  }
0xbd: {  	s0 =	sadd.s32 $0x8F2B, s0  }
0xbe: {  	[sflag:s0] =	ssyncadd.remote.s32 $0x1  }
0xbf: {  	_ =	sfence.sel $0xFFFF  }
0xc0: {  	[dreg:$0x0] =	wrdreg $0xFFFFFFFF;
	(pc) =	sbr.abs _section_cstart, $3  }
0xc1: {  	[dreg:$0x1] =	wrdreg $0xFFFFFFFF  }
0xc2: {  	_ =	task.clear_ibuf [dreg:s7], $0x2FFFF;
	_ =	strace $0x9FFFFFFF  }
0xc3: {  	(tm) =	ssettm $0x7FFFFFFF  }
tec
execute0_lowered:
.L_overlay_start_1:
0x0: {  	(tag) =	ssettag $0x1  }
0x1: {  	s4 =	rddreg [dreg:$0x0]  }
0x2: {  	s5 =	rddreg [dreg:$0x1]  }
0x3: {  	s2 =	rddreg [dreg:$0x2];
	s3 =	srdreg.scid  }
0x4: {  	s0 =	rddreg [dreg:$0x3];
	s1 =	stileid.u32;
	s11 =	simm.s32 $0x280  }
0x5: {  	s12 =	simm.s32 $0x80;
	s13 =	simm.s32 $0x2A80;
	s14 =	simm.s32 $0x1  }
0x6: {  	s15 =	simm.s32 $0x20;
	s16 =	simm.s32 $0x10;
	s17 =	simm.s32 $0x0  }
0x7: {  	s6 =	sand.u32 $0x1, s3;
	s3 =	simm.s32 $0x0;
	s8 =	smul.u32 $0x500, s1  }
0x8: {  	s28 =	smul.u32 $0x280, s1;
	s31 =	sshll.u32 s1, $0x6;
	s7 =	sshll.u32 s6, $0x4  }
0x9: {  	[smem:$0x7FF] =	sst s3;
	s9 =	sshll.u32 s6, $0x7;
	s6 =	ssub.s32 $0x2, s6  }
0xa: {  	s7 =	sor.u32 s1, s7;
	_ =	strace $0x80000047;
	s8 =	sor.u32 s9, s8  }
0xb: {  	s29 =	sshrl.u32 s6, $0x1;
	s30 =	sshrl.u32 s28, $0x3;
	s7 =	smul.u32 $0x500, s7  }
0xc: {  	s9 =	sadd.s32 s28, s2;
	s8 =	sshrl.u32 s8, $0x3;
	s10 =	ssub.s32 s6, s29  }
0xd: {  	s9 =	sshrl.u32 s9, $0x3;
	s8 =	sadd.s32 s8, s4;
	s7 =	sadd.s32 s7, s4  }
0xe: {  	s4 =	sadd.s32 s5, s30;
	s5 =	sor.u32 $0x1C02, s31;
	s6 =	sadd.s32 $0xE00, s7  }
0xf: {  	v0 =	vimm.f32 $1.000000000e+00;
	s7 =	sadd.s32 $0x14E00, s8;
	s8 =	smax.u32 s10, $0x1;
	s10 =	simm.s32 $0x2  }
.LBB2_1:
0x10: {  	[spmem:s9], [sflag:s5] =	dma.local [hbm:s4], $0x50  }
0x11: {  	_ =	swait.ge [sflag:s10], $0x50  }
0x12: {  	[sflag:s10] =	ssyncset.done $0x0  }
0x13: {  	[sflag:s10] =	ssyncadd.s32 $0xFFFFFFB0  }
0x14: {  	[tilespmem:s11], [sflag:$0x2] =	stream.linear.gather [hbm4b:s6+s3], $0x2800, $0x38;
	[tilespmem:$0x2B00] =	vst v63  }
0x15: {  	_ =	swait.ge [sflag:s10], $0x2800  }
0x16: {  	[sflag:s10] =	ssyncset.done $0x0  }
0x17: {  	[sflag:s10] =	ssyncadd.s32 $0xFFFFD800  }
0x18: {  	[tilespmem:$0x2A80] =	vst v0  }
0x19: {  	[tilespmem:$0x2A90] =	vst v0  }
0x1a: {  	[tilespmem:$0x2AA0] =	vst v0  }
0x1b: {  	[tilespmem:$0x2AB0] =	vst v0  }
0x1c: {  	[tilespmem:$0x2AC0] =	vst v0  }
0x1d: {  	[tilespmem:$0x2AD0] =	vst v0  }
0x1e: {  	[tilespmem:$0x2AE0] =	vst v0  }
0x1f: {  	[tilespmem:$0x2AF0] =	vst v0  }
0x20: {  	s18 =	simm.s32 $0x280;
	[bflag:$0x0] =	sbarrier.arrive $0xFFFF  }
0x21: {  	[spmem:s2] =	stream.indirect.scatter.add.f32 [tilespmem:s13], [sflag:$0x1], $0x1, s18, s12, $0xb8;
	[tilespmem:$0x2B00] =	vst v63  }
0x22: {  	s24 =	simm.s32 $0x300  }
0x23: {  	[spmem:s2] =	stream.indirect.scatter.add.f32 [tilespmem:s13], [sflag:$0x1], $0x1, s24, s12, $0xb8;
	[tilespmem:$0x2B00] =	vst v63  }
0x24: {  	s25 =	simm.s32 $0x380  }
0x25: {  	[spmem:s2] =	stream.indirect.scatter.add.f32 [tilespmem:s13], [sflag:$0x1], $0x1, s25, s12, $0xb8;
	[tilespmem:$0x2B00] =	vst v63  }
0x26: {  	s26 =	simm.s32 $0x400  }
0x27: {  	[spmem:s2] =	stream.indirect.scatter.add.f32 [tilespmem:s13], [sflag:$0x1], $0x1, s26, s12, $0xb8;
	[tilespmem:$0x2B00] =	vst v63  }
0x28: {  	s28 =	simm.s32 $0x480  }
0x29: {  	[spmem:s2] =	stream.indirect.scatter.add.f32 [tilespmem:s13], [sflag:$0x1], $0x1, s28, s12, $0xb8;
	[tilespmem:$0x2B00] =	vst v63  }
0x2a: {  	s29 =	simm.s32 $0x500  }
0x2b: {  	[spmem:s2] =	stream.indirect.scatter.add.f32 [tilespmem:s13], [sflag:$0x1], $0x1, s29, s12, $0xb8;
	[tilespmem:$0x2B00] =	vst v63  }
0x2c: {  	s30 =	simm.s32 $0x580  }
0x2d: {  	[spmem:s2] =	stream.indirect.scatter.add.f32 [tilespmem:s13], [sflag:$0x1], $0x1, s30, s12, $0xb8;
	[tilespmem:$0x2B00] =	vst v63  }
0x2e: {  	s31 =	simm.s32 $0x600  }
0x2f: {  	[spmem:s2] =	stream.indirect.scatter.add.f32 [tilespmem:s13], [sflag:$0x1], $0x1, s31, s12, $0xb8;
	[tilespmem:$0x2B00] =	vst v63  }
0x30: {  	_ =	swait.ge [sflag:s14], $0x80  }
0x31: {  	[sflag:s14] =	ssyncset.done $0x0  }
0x32: {  	[sflag:s14] =	ssyncadd.s32 $0xFFFFFF80  }
0x33: {  	_ =	swait.ge [sflag:s14], $0x80  }
0x34: {  	[sflag:s14] =	ssyncset.done $0x0  }
0x35: {  	[sflag:s14] =	ssyncadd.s32 $0xFFFFFF80  }
0x36: {  	_ =	swait.ge [sflag:s14], $0x80  }
0x37: {  	[sflag:s14] =	ssyncset.done $0x0  }
0x38: {  	[sflag:s14] =	ssyncadd.s32 $0xFFFFFF80  }
0x39: {  	_ =	swait.ge [sflag:s14], $0x80  }
0x3a: {  	[sflag:s14] =	ssyncset.done $0x0  }
0x3b: {  	[sflag:s14] =	ssyncadd.s32 $0xFFFFFF80  }
0x3c: {  	_ =	swait.ge [sflag:s14], $0x80  }
0x3d: {  	[sflag:s14] =	ssyncset.done $0x0  }
0x3e: {  	[sflag:s14] =	ssyncadd.s32 $0xFFFFFF80  }
0x3f: {  	_ =	swait.ge [sflag:s14], $0x80  }
0x40: {  	[sflag:s14] =	ssyncset.done $0x0  }
0x41: {  	[sflag:s14] =	ssyncadd.s32 $0xFFFFFF80  }
0x42: {  	_ =	swait.ge [sflag:s14], $0x80  }
0x43: {  	[sflag:s14] =	ssyncset.done $0x0  }
0x44: {  	[sflag:s14] =	ssyncadd.s32 $0xFFFFFF80  }
0x45: {  	_ =	swait.ge [sflag:s14], $0x80  }
0x46: {  	s21 =	simm.s32 $0x2000;
	s20 =	simm.s32 $0x400;
	[sflag:s14] =	ssyncset.done $0x0  }
.LBB2_2:
0x47: {  	s22 =	sadd.s32 $0x280, s20  }
0x48: {  	[sflag:s14] =	ssyncadd.s32 $0xFFFFFF80;
	s19 =	smov.u32 s21;
	s18 =	sadd.s32 $0x1000, s21  }
0x49: {  	[spmem:s2] =	stream.indirect.scatter.add.f32 [tilespmem:s13], [sflag:$0x1], $0x1, s22, s12, $0xb8;
	[tilespmem:$0x2B00] =	vst v63  }
0x4a: {  	p0 =	sne.s32 s21, $0x9000;
	s21 =	sadd.s32 $0x300, s20  }
0x4b: {  	[spmem:s2] =	stream.indirect.scatter.add.f32 [tilespmem:s13], [sflag:$0x1], $0x1, s21, s12, $0xb8;
	[tilespmem:$0x2B00] =	vst v63  }
0x4c: {  	s21 =	sadd.s32 $0x380, s20  }
0x4d: {  	[spmem:s2] =	stream.indirect.scatter.add.f32 [tilespmem:s13], [sflag:$0x1], $0x1, s21, s12, $0xb8;
	[tilespmem:$0x2B00] =	vst v63  }
0x4e: {  	s21 =	sadd.s32 $0x400, s20  }
0x4f: {  	[spmem:s2] =	stream.indirect.scatter.add.f32 [tilespmem:s13], [sflag:$0x1], $0x1, s21, s12, $0xb8;
	[tilespmem:$0x2B00] =	vst v63  }
0x50: {  	s21 =	sadd.s32 $0x480, s20  }
0x51: {  	[spmem:s2] =	stream.indirect.scatter.add.f32 [tilespmem:s13], [sflag:$0x1], $0x1, s21, s12, $0xb8;
	[tilespmem:$0x2B00] =	vst v63  }
0x52: {  	s21 =	sadd.s32 $0x500, s20  }
0x53: {  	[spmem:s2] =	stream.indirect.scatter.add.f32 [tilespmem:s13], [sflag:$0x1], $0x1, s21, s12, $0xb8;
	[tilespmem:$0x2B00] =	vst v63  }
0x54: {  	s21 =	sadd.s32 $0x580, s20  }
0x55: {  	[spmem:s2] =	stream.indirect.scatter.add.f32 [tilespmem:s13], [sflag:$0x1], $0x1, s21, s12, $0xb8;
	[tilespmem:$0x2B00] =	vst v63  }
0x56: {  	s20 =	sadd.s32 $0x600, s20  }
0x57: {  	[spmem:s2] =	stream.indirect.scatter.add.f32 [tilespmem:s13], [sflag:$0x1], $0x1, s20, s12, $0xb8;
	[tilespmem:$0x2B00] =	vst v63  }
0x58: {  	_ =	swait.ge [sflag:s14], $0x80  }
0x59: {  	[sflag:s14] =	ssyncset.done $0x0  }
0x5a: {  	[sflag:s14] =	ssyncadd.s32 $0xFFFFFF80  }
0x5b: {  	_ =	swait.ge [sflag:s14], $0x80  }
0x5c: {  	[sflag:s14] =	ssyncset.done $0x0  }
0x5d: {  	[sflag:s14] =	ssyncadd.s32 $0xFFFFFF80  }
0x5e: {  	_ =	swait.ge [sflag:s14], $0x80  }
0x5f: {  	[sflag:s14] =	ssyncset.done $0x0  }
0x60: {  	[sflag:s14] =	ssyncadd.s32 $0xFFFFFF80  }
0x61: {  	_ =	swait.ge [sflag:s14], $0x80  }
0x62: {  	[sflag:s14] =	ssyncset.done $0x0  }
0x63: {  	[sflag:s14] =	ssyncadd.s32 $0xFFFFFF80  }
0x64: {  	_ =	swait.ge [sflag:s14], $0x80  }
0x65: {  	[sflag:s14] =	ssyncset.done $0x0  }
0x66: {  	[sflag:s14] =	ssyncadd.s32 $0xFFFFFF80  }
0x67: {  	_ =	swait.ge [sflag:s14], $0x80  }
0x68: {  	[sflag:s14] =	ssyncset.done $0x0  }
0x69: {  	[sflag:s14] =	ssyncadd.s32 $0xFFFFFF80  }
.Ltmp0:
0x6a: {  	_ =	swait.ge [sflag:s14], $0x80;
	(pc) =	sbr.rel @p0 .LBB2_2-.Ltmp0, $4  }
0x6b: {  	[sflag:s14] =	ssyncset.done $0x0  }
0x6c: {  	[sflag:s14] =	ssyncadd.s32 $0xFFFFFF80  }
0x6d: {  	_ =	swait.ge [sflag:s14], $0x80  }
0x6e: {  	s21 =	smov.u32 s18;
	s20 =	sshra.s32 s19, $0x2;
	[sflag:s14] =	ssyncset.done $0x0  }
0x6f: {  	s18 =	sadd.s32 $0x280, s20;
	[sflag:s14] =	ssyncadd.s32 $0xFFFFFF80  }
0x70: {  	[spmem:s2] =	stream.indirect.scatter.add.f32 [tilespmem:s13], [sflag:$0x1], $0x1, s18, s12, $0xb8;
	[tilespmem:$0x2B00] =	vst v63  }
0x71: {  	s24 =	sadd.s32 $0x300, s20  }
0x72: {  	[spmem:s2] =	stream.indirect.scatter.add.f32 [tilespmem:s13], [sflag:$0x1], $0x1, s24, s12, $0xb8;
	[tilespmem:$0x2B00] =	vst v63  }
0x73: {  	s25 =	sadd.s32 $0x380, s20  }
0x74: {  	[spmem:s2] =	stream.indirect.scatter.add.f32 [tilespmem:s13], [sflag:$0x1], $0x1, s25, s12, $0xb8;
	[tilespmem:$0x2B00] =	vst v63  }
0x75: {  	s26 =	sadd.s32 $0x400, s20  }
0x76: {  	[spmem:s2] =	stream.indirect.scatter.add.f32 [tilespmem:s13], [sflag:$0x1], $0x1, s26, s12, $0xb8;
	[tilespmem:$0x2B00] =	vst v63  }
0x77: {  	s28 =	sadd.s32 $0x480, s20  }
0x78: {  	[spmem:s2] =	stream.indirect.scatter.add.f32 [tilespmem:s13], [sflag:$0x1], $0x1, s28, s12, $0xb8;
	[tilespmem:$0x2B00] =	vst v63  }
0x79: {  	s29 =	sadd.s32 $0x500, s20  }
0x7a: {  	[spmem:s2] =	stream.indirect.scatter.add.f32 [tilespmem:s13], [sflag:$0x1], $0x1, s29, s12, $0xb8;
	[tilespmem:$0x2B00] =	vst v63  }
0x7b: {  	s30 =	sadd.s32 $0x580, s20  }
0x7c: {  	[spmem:s2] =	stream.indirect.scatter.add.f32 [tilespmem:s13], [sflag:$0x1], $0x1, s30, s12, $0xb8;
	[tilespmem:$0x2B00] =	vst v63  }
0x7d: {  	s31 =	sadd.s32 $0x600, s20  }
0x7e: {  	[spmem:s2] =	stream.indirect.scatter.add.f32 [tilespmem:s13], [sflag:$0x1], $0x1, s31, s12, $0xb8;
	[tilespmem:$0x2B00] =	vst v63  }
0x7f: {  	_ =	swait.ge [sflag:s14], $0x80  }
0x80: {  	[sflag:s14] =	ssyncset.done $0x0  }
0x81: {  	[sflag:s14] =	ssyncadd.s32 $0xFFFFFF80  }
0x82: {  	_ =	swait.ge [sflag:s14], $0x80  }
0x83: {  	[sflag:s14] =	ssyncset.done $0x0  }
0x84: {  	[sflag:s14] =	ssyncadd.s32 $0xFFFFFF80  }
0x85: {  	_ =	swait.ge [sflag:s14], $0x80  }
0x86: {  	[sflag:s14] =	ssyncset.done $0x0  }
0x87: {  	[sflag:s14] =	ssyncadd.s32 $0xFFFFFF80  }
0x88: {  	_ =	swait.ge [sflag:s14], $0x80  }
0x89: {  	[sflag:s14] =	ssyncset.done $0x0  }
0x8a: {  	[sflag:s14] =	ssyncadd.s32 $0xFFFFFF80  }
0x8b: {  	_ =	swait.ge [sflag:s14], $0x80  }
0x8c: {  	[sflag:s14] =	ssyncset.done $0x0  }
0x8d: {  	[sflag:s14] =	ssyncadd.s32 $0xFFFFFF80  }
0x8e: {  	_ =	swait.ge [sflag:s14], $0x80  }
0x8f: {  	[sflag:s14] =	ssyncset.done $0x0  }
0x90: {  	[sflag:s14] =	ssyncadd.s32 $0xFFFFFF80  }
0x91: {  	_ =	swait.ge [sflag:s14], $0x80  }
0x92: {  	[sflag:s14] =	ssyncset.done $0x0  }
0x93: {  	[sflag:s14] =	ssyncadd.s32 $0xFFFFFF80  }
0x94: {  	_ =	swait.ge [sflag:s14], $0x80  }
0x95: {  	s17 =	sadd.s32 $0x1, s17;
	[sflag:s14] =	ssyncset.done $0x0  }
0x96: {  	p0 =	sne.s32 s17, s8;
	[sflag:s14] =	ssyncadd.s32 $0xFFFFFF80  }
.Ltmp1:
0x97: {  	[bflag:$0x0] =	sbarrier.arrive $0xFFFF;
	(pc) =	sbr.rel @p0 .LBB2_1-.Ltmp1, $4  }
0x98: {  	[hbm:s7@s15], [sflag:s5] =	dma.strided [spmem:s9@s16], $0x50, s14, $0x10   }
0x99: {  	_ =	swait.ge [sflag:s10], $0x50  }
0x9a: {  	[sflag:s10] =	ssyncset.done $0x0  }
0x9b: {  	[sflag:s10] =	ssyncadd.s32 $0xFFFFFFB0  }
0x9c: {  	_ =	sfence.sel $0x180000  }
0x9d: {  	[bflag:$0x0] =	sbarrier.arrive $0xFFFF  }
0x9e: {  	p0 =	sne.s32 s1, $0x0;
	_ =	strace $0x90000047  }
0x9f: {  	s0 =	sadd.s32 @!p0 $0x100000, s0;
	[bflag:$0x2] =	sbarrier.arrive $0xFFFF  }
0xa0: {  	[sflag:s0] =	ssyncadd.tile.s32 @!p0 $0x1;
	_ =	shalt  }
.Lfunc_end2:
_tile_overlayer_lowered:
.L_overlay_start_2:
0xa1: {  	(tag) =	ssettag $0x2  }
0xa2: {  	s0 =	rddreg [dreg:$0x0];
	s2 =	stileid.u32  }
0xa3: {  	s1 =	rddreg [dreg:$0x1];
	p0 =	sne.s32 s2, $0x0  }
0xa4: {  	s3 =	rddreg [dreg:$0x2];
	[bflag:$0x3] =	sbarrier.arrive $0xFFFF;
	s2 =	simm.s32 @!p0 $0x1C02  }
0xa5: {  	[timem:s3], [sflag:s2] =	dma.local @!p0 [hbm:s0], s1  }
0xa6: {  	s0 =	simm.s32 @!p0 $0x2  }
0xa7: {  	_ =	swait.ge @!p0 [sflag:s0], s1  }
0xa8: {  	s1 =	ssub.s32 @!p0 $0x0, s1;
	[sflag:s0] =	ssyncset.done @!p0 $0x0  }
0xa9: {  	[sflag:s0] =	ssyncadd.s32 @!p0 s1  }
0xaa: {  	[bflag:$0x3] =	sbarrier.arrive $0xFFFF  }
0xab: {  	_ =	shalt  }

</sc_bundles>
